<compile_context>
chip_gen: v7x
topology: tpu7x:2x2x1
jax: 0.10.2.dev20260603
libtpu: 0.0.44.dev20260713+nightly
codegen_flags: <defaults>
</compile_context>

<pallas_src>
import functools

import jax
import jax.numpy as jnp
from jax import lax
from jax.experimental import pallas as pl
from jax.experimental.pallas import tpu as pltpu
from jax.experimental.pallas import tpu_sc as plsc

B = 16384
D = 64
NC = 2
NS = 16
NW = NC * NS
L = 16
SLABW = 256
RAG_S = 3906
RAG_K = RAG_S >> 5
RAGW = 65
NG_IDX = B // L
RING = 64
NR = 4
SENT = 0x7FFFFFFF


def _embed_body(tab_t, idx_hbm, out, idx_v, sel_v, slab2, rag_v, rows_v,
                semi, semd, semo):
    wid = lax.axis_index("s") * NC + lax.axis_index("c")
    lane = lax.iota(jnp.int32, L)
    pltpu.async_copy(idx_hbm, idx_v, semi).wait()

    @pl.loop(0, NG_IDX, init_carry=jnp.zeros((L,), jnp.int32), unroll=4)
    def cnt_v(g, base):
        v = idx_v[pl.ds(g * L, L)]
        m = ((v >> 8) & 31) == wid
        packed = ((v >> 13) << 22) | ((v & 255) << 14) | (lane + g * L)
        cs = plsc.cumsum(jnp.where(m, 1, 0))
        plsc.store_scatter(sel_v, [base + cs - 1], packed, mask=m)
        return base + plsc.all_reduce_population_count(m)

    cnt = jnp.max(cnt_v)
    plsc.store_scatter(sel_v, [cnt + lane],
                       jnp.full((L,), SENT, jnp.int32), mask=lane == lane)
    ng = (cnt + L - 1) // L
    nk = 122 + jnp.where(wid < 2, 1, 0)

    def issue(k):
        s = wid + NW * k
        col0 = pl.multiple_of(s * SLABW, 128)
        pltpu.async_copy(
            tab_t.at[:, pl.ds(col0, SLABW)], slab2.at[k & 3], semd.at[k & 3]
        )

    def wait(k):
        s = wid + NW * k
        col0 = pl.multiple_of(s * SLABW, 128)
        pltpu.make_async_copy(
            tab_t.at[:, pl.ds(col0, SLABW)], slab2.at[k & 3], semd.at[k & 3]
        ).wait()

    def process(buf, kord, e0):
        @pl.loop(0, ng, init_carry=e0)
        def e_out(g, e):
            vsel = sel_v[pl.ds(g * L, L)]
            m0 = (vsel >> 22) == kord

            def cond(c):
                m, _ = c
                return jnp.any(m)

            def body(c):
                m, e = c
                j = plsc.all_reduce_ffs(m)
                sv = jnp.sum(jnp.where(lane == j, vsel, 0))
                scol = (sv >> 14) & 255
                sb = sv & 16383
                colsp = jnp.broadcast_to(scol, (L,))
                slot = e & (RING - 1)

                @pl.when(e >= RING)
                def _():
                    pltpu.make_async_copy(
                        out.at[pl.ds(0, 1), :], rows_v.at[pl.ds(0, 1), :], semo
                    ).wait()

                for q in range(D // L):
                    val = plsc.load_gather(buf, [lane + q * L, colsp])
                    rows_v[slot, pl.ds(q * L, L)] = val
                pltpu.async_copy(
                    rows_v.at[pl.ds(slot, 1), :], out.at[pl.ds(sb, 1), :], semo
                )
                return m & (lane != j), e + 1

            _, e1 = lax.while_loop(cond, body, (m0, e))
            return e1

        return e_out

    issue(0)
    issue(1)
    issue(2)

    @pl.loop(0, nk, init_carry=jnp.int32(0))
    def e_fin(k, e):
        @pl.when(k + 3 < nk)
        def _():
            issue(k + 3)

        wait(k)
        return process(slab2.at[k & 3], k, e)

    def do_ragged(e):
        pltpu.sync_copy(tab_t.at[:, pl.ds(RAG_S * SLABW, RAGW)], rag_v)
        return process(rag_v, RAG_K, e)

    e_fin2 = lax.cond(wid == (RAG_S & 31), do_ragged, lambda e: e, e_fin)

    @pl.loop(0, jnp.minimum(e_fin2, RING))
    def _(i):
        pltpu.make_async_copy(
            out.at[pl.ds(0, 1), :], rows_v.at[pl.ds(0, 1), :], semo
        ).wait()


@jax.jit
def _embed(table_t, idx):
    mesh = plsc.VectorSubcoreMesh(core_axis_name="c", subcore_axis_name="s")
    run = functools.partial(
        pl.kernel,
        mesh=mesh,
        out_type=jax.ShapeDtypeStruct((B, D), jnp.float32),
        scratch_types=[
            pltpu.VMEM((B,), jnp.int32),
            pltpu.VMEM((B + L,), jnp.int32),
            pltpu.VMEM((NR, D, SLABW), jnp.float32),
            pltpu.VMEM((D, RAGW), jnp.float32),
            pltpu.VMEM((RING, D), jnp.float32),
            pltpu.SemaphoreType.DMA,
            pltpu.SemaphoreType.DMA((NR,)),
            pltpu.SemaphoreType.DMA,
        ],
        compiler_params=pltpu.CompilerParams(needs_layout_passes=False),
    )(_embed_body)
    return run(table_t, idx)


def kernel(class_ids, table):
    out = _embed(table.T, class_ids.astype(jnp.int32))
    return out.reshape(B, 1, D)

# --- scband reference (transcript-rebuilt; emitter-appended) ---
"""Pipeline reference for scband-class-embedder-79405355369076 (READ-ONLY COPY).

The authoritative reference and input builder live on the scoring server;
editing this copy changes nothing except your own understanding.
"""

import jax, jax.numpy as jnp
import numpy as np

B = 16384
N_CLASSES = 1000000
EMBED_DIM = 64

def setup_inputs(seed: int = 0) -> dict:
    key = jax.random.key(seed)
    k1, k2 = jax.random.split(key)
    class_ids = jax.random.randint(k1, (B,), 0, N_CLASSES, dtype=jnp.int64 if jax.config.jax_enable_x64 else jnp.int32)
    # nn.Embedding(n_classes + 1, embed_dim): extra row is the unconditional class embedding
    table = jax.random.normal(k2, (N_CLASSES + 1, EMBED_DIM), dtype=jnp.float32)
    return {"class_ids": class_ids, "table": table}

def reference(class_ids, table):
    # batch[key][:, None] -> [B, 1]; ucg_rate=0.0 so no bernoulli dropout branch
    c = class_ids[:, None]
    out = jnp.take(table, c, axis=0)  # [B, 1, embed_dim]
    return out

if __name__ == "__main__":
    import jax
    _d = setup_inputs()
    print(jax.jit(kernel)(*tuple(_d.values())))

</pallas_src>

<mosaic_0001>
#map = affine_map<(d0, d1) -> (0, 0)>
#map1 = affine_map<(d0, d1) -> (0)>
module attributes {stable_mosaic.version = 14 : i64} {
  func.func @_embed_body(%arg0: i32, %arg1: i32, %arg2: memref<64x1000001xf32, #tpu.memory_space<hbm>>, %arg3: memref<16384xi32, #tpu.memory_space<hbm>>, %arg4: memref<16384x64xf32, #tpu.memory_space<hbm>>, %arg5: memref<16384xi32, #tpu.memory_space<vmem>>, %arg6: memref<16400xi32, #tpu.memory_space<vmem>>, %arg7: memref<4x64x256xf32, #tpu.memory_space<vmem>>, %arg8: memref<64x65xf32, #tpu.memory_space<vmem>>, %arg9: memref<64x64xf32, #tpu.memory_space<vmem>>, %arg10: memref<!tpu.dma_semaphore, #tpu.memory_space<semaphore_mem>>, %arg11: memref<4x!tpu.dma_semaphore, #tpu.memory_space<semaphore_mem>>, %arg12: memref<!tpu.dma_semaphore, #tpu.memory_space<semaphore_mem>>) attributes {dimension_semantics = [#tpu.dimension_semantics<core_parallel>, #tpu.dimension_semantics<subcore_parallel>], iteration_bounds = array<i64: 2, 16>, scalar_prefetch = 0 : i64, scratch_operands = 8 : i64, tpu.core_type = #tpu.core_type<sc_vector_subcore>, window_params = [{transform_indices = #map}, {transform_indices = #map1}, {transform_indices = #map}]} {
    %mul3A = arith.constant 2 : i32
    %mul3A_0 = arith.muli %arg1, %mul3A : i32
    %add3A = arith.addi %mul3A_0, %arg0 : i32
    %iota3A = tpu.iota {dimensions = array<i32: 0>} : vector<16xi32>
    tpu.enqueue_dma source(%arg3 : memref<16384xi32, #tpu.memory_space<hbm>>) target(%arg5 : memref<16384xi32, #tpu.memory_space<vmem>>) target_semaphore(%arg10 : memref<!tpu.dma_semaphore, #tpu.memory_space<semaphore_mem>>)
    tpu.wait_dma2 semaphore(%arg10 : memref<!tpu.dma_semaphore, #tpu.memory_space<semaphore_mem>>) src(%arg3 : memref<16384xi32, #tpu.memory_space<hbm>>) dst(%arg5 : memref<16384xi32, #tpu.memory_space<vmem>>)
    %broadcast_in_dim3A = arith.constant 0 : i32
    %broadcast_in_dim3A_1 = vector.broadcast %broadcast_in_dim3A : i32 to vector<16xi32>
    %scan3A = arith.constant 0 : i32
    %scan3A_2 = arith.constant 1024 : i32
    %scan3A_3 = arith.addi %scan3A, %scan3A_2 : i32
    %scan3A_4 = arith.constant 4 : i32
    %scan3A_5 = scf.for %scan3A_150 = %scan3A to %scan3A_3 step %scan3A_4 iter_args(%scan3A_151 = %broadcast_in_dim3A_1) -> (vector<16xi32>)  : i32 {
      %mul3A_152 = arith.constant 1 : i32
      %mul3A_153 = arith.muli %scan3A_150, %mul3A_152 : i32
      %add3A_154 = arith.constant 0 : i32
      %add3A_155 = arith.addi %add3A_154, %mul3A_153 : i32
      %mul3A_156 = arith.constant 16 : i32
      %mul3A_157 = arith.muli %add3A_155, %mul3A_156 : i32
      %get3A = arith.index_cast %mul3A_157 : i32 to index
      %get3A_158 = tpu.vector_load %arg5[%get3A] {strides = array<i32>} : memref<16384xi32, #tpu.memory_space<vmem>>, vector<16xi32>,
      %shift_right_arithmetic3A = arith.constant 8 : i32
      %shift_right_arithmetic3A_159 = vector.broadcast %shift_right_arithmetic3A : i32 to vector<16xi32>
      %shift_right_arithmetic3A_160 = arith.shrsi %get3A_158, %shift_right_arithmetic3A_159 : vector<16xi32>
      %and3A_161 = arith.constant 31 : i32
      %and3A_162 = vector.broadcast %and3A_161 : i32 to vector<16xi32>
      %and3A_163 = arith.andi %shift_right_arithmetic3A_160, %and3A_162 : vector<16xi32>
      %eq3A_164 = vector.broadcast %add3A : i32 to vector<16xi32>
      %eq3A_165 = arith.cmpi eq, %and3A_163, %eq3A_164 : vector<16xi32>
      %shift_right_arithmetic3A_166 = arith.constant 13 : i32
      %shift_right_arithmetic3A_167 = vector.broadcast %shift_right_arithmetic3A_166 : i32 to vector<16xi32>
      %shift_right_arithmetic3A_168 = arith.shrsi %get3A_158, %shift_right_arithmetic3A_167 : vector<16xi32>
      %shift_left3A = arith.constant 22 : i32
      %shift_left3A_169 = vector.broadcast %shift_left3A : i32 to vector<16xi32>
      %shift_left3A_170 = arith.shli %shift_right_arithmetic3A_168, %shift_left3A_169 : vector<16xi32>
      %and3A_171 = arith.constant 255 : i32
      %and3A_172 = vector.broadcast %and3A_171 : i32 to vector<16xi32>
      %and3A_173 = arith.andi %get3A_158, %and3A_172 : vector<16xi32>
      %shift_left3A_174 = arith.constant 14 : i32
      %shift_left3A_175 = vector.broadcast %shift_left3A_174 : i32 to vector<16xi32>
      %shift_left3A_176 = arith.shli %and3A_173, %shift_left3A_175 : vector<16xi32>
      %or3A = arith.ori %shift_left3A_170, %shift_left3A_176 : vector<16xi32>
      %mul3A_177 = arith.constant 16 : i32
      %mul3A_178 = arith.muli %add3A_155, %mul3A_177 : i32
      %add3A_179 = vector.broadcast %mul3A_178 : i32 to vector<16xi32>
      %add3A_180 = arith.addi %iota3A, %add3A_179 : vector<16xi32>
      %or3A_181 = arith.ori %or3A, %add3A_180 : vector<16xi32>
      %jit3A_182 = arith.constant 1 : i32
      %jit3A_183 = arith.constant 0 : i32
      %broadcast_in_dim3A_184 = vector.broadcast %jit3A_182 : i32 to vector<16xi32>
      %broadcast_in_dim3A_185 = vector.broadcast %jit3A_183 : i32 to vector<16xi32>
      %select_n3A_186 = arith.select %eq3A_165, %broadcast_in_dim3A_184, %broadcast_in_dim3A_185 : vector<16xi1>, vector<16xi32>
      %broadcast_in_dim3A_187 = arith.constant true
      %broadcast_in_dim3A_188 = vector.broadcast %broadcast_in_dim3A_187 : i1 to vector<16xi1>
      %masked_cumsum3A = tpu.scan <sum>, %select_n3A_186 masked %broadcast_in_dim3A_188 : vector<16xi32>, vector<16xi1> -> vector<16xi32>
      %add3A_189 = arith.addi %scan3A_151, %masked_cumsum3A : vector<16xi32>
      %sub3A_190 = arith.constant 1 : i32
      %sub3A_191 = vector.broadcast %sub3A_190 : i32 to vector<16xi32>
      %sub3A_192 = arith.subi %add3A_189, %sub3A_191 : vector<16xi32>
      tpu.vector_store_idx %arg6[%sub3A_192], %or3A_181 masked %eq3A_165 : memref<16400xi32, #tpu.memory_space<vmem>>[vector<16xi32>], vector<16xi32>, vector<16xi1>
      %all_reduce_population_count3A = tpu.all_reduce %eq3A_165 {dim = 0 : i64, kind = #tpu.reduction_kind<sum>} : vector<16xi1> -> vector<16xi32>
      %add3A_193 = arith.addi %scan3A_151, %all_reduce_population_count3A : vector<16xi32>
      %scan3A_194 = arith.constant 1 : i32
      %scan3A_195 = arith.addi %scan3A_150, %scan3A_194 : i32
      %mul3A_196 = arith.constant 1 : i32
      %mul3A_197 = arith.muli %scan3A_195, %mul3A_196 : i32
      %add3A_198 = arith.constant 0 : i32
      %add3A_199 = arith.addi %add3A_198, %mul3A_197 : i32
      %mul3A_200 = arith.constant 16 : i32
      %mul3A_201 = arith.muli %add3A_199, %mul3A_200 : i32
      %get3A_202 = arith.index_cast %mul3A_201 : i32 to index
      %get3A_203 = tpu.vector_load %arg5[%get3A_202] {strides = array<i32>} : memref<16384xi32, #tpu.memory_space<vmem>>, vector<16xi32>,
      %shift_right_arithmetic3A_204 = arith.constant 8 : i32
      %shift_right_arithmetic3A_205 = vector.broadcast %shift_right_arithmetic3A_204 : i32 to vector<16xi32>
      %shift_right_arithmetic3A_206 = arith.shrsi %get3A_203, %shift_right_arithmetic3A_205 : vector<16xi32>
      %and3A_207 = arith.constant 31 : i32
      %and3A_208 = vector.broadcast %and3A_207 : i32 to vector<16xi32>
      %and3A_209 = arith.andi %shift_right_arithmetic3A_206, %and3A_208 : vector<16xi32>
      %eq3A_210 = vector.broadcast %add3A : i32 to vector<16xi32>
      %eq3A_211 = arith.cmpi eq, %and3A_209, %eq3A_210 : vector<16xi32>
      %shift_right_arithmetic3A_212 = arith.constant 13 : i32
      %shift_right_arithmetic3A_213 = vector.broadcast %shift_right_arithmetic3A_212 : i32 to vector<16xi32>
      %shift_right_arithmetic3A_214 = arith.shrsi %get3A_203, %shift_right_arithmetic3A_213 : vector<16xi32>
      %shift_left3A_215 = arith.constant 22 : i32
      %shift_left3A_216 = vector.broadcast %shift_left3A_215 : i32 to vector<16xi32>
      %shift_left3A_217 = arith.shli %shift_right_arithmetic3A_214, %shift_left3A_216 : vector<16xi32>
      %and3A_218 = arith.constant 255 : i32
      %and3A_219 = vector.broadcast %and3A_218 : i32 to vector<16xi32>
      %and3A_220 = arith.andi %get3A_203, %and3A_219 : vector<16xi32>
      %shift_left3A_221 = arith.constant 14 : i32
      %shift_left3A_222 = vector.broadcast %shift_left3A_221 : i32 to vector<16xi32>
      %shift_left3A_223 = arith.shli %and3A_220, %shift_left3A_222 : vector<16xi32>
      %or3A_224 = arith.ori %shift_left3A_217, %shift_left3A_223 : vector<16xi32>
      %mul3A_225 = arith.constant 16 : i32
      %mul3A_226 = arith.muli %add3A_199, %mul3A_225 : i32
      %add3A_227 = vector.broadcast %mul3A_226 : i32 to vector<16xi32>
      %add3A_228 = arith.addi %iota3A, %add3A_227 : vector<16xi32>
      %or3A_229 = arith.ori %or3A_224, %add3A_228 : vector<16xi32>
      %jit3A_230 = arith.constant 1 : i32
      %jit3A_231 = arith.constant 0 : i32
      %broadcast_in_dim3A_232 = vector.broadcast %jit3A_230 : i32 to vector<16xi32>
      %broadcast_in_dim3A_233 = vector.broadcast %jit3A_231 : i32 to vector<16xi32>
      %select_n3A_234 = arith.select %eq3A_211, %broadcast_in_dim3A_232, %broadcast_in_dim3A_233 : vector<16xi1>, vector<16xi32>
      %broadcast_in_dim3A_235 = arith.constant true
      %broadcast_in_dim3A_236 = vector.broadcast %broadcast_in_dim3A_235 : i1 to vector<16xi1>
      %masked_cumsum3A_237 = tpu.scan <sum>, %select_n3A_234 masked %broadcast_in_dim3A_236 : vector<16xi32>, vector<16xi1> -> vector<16xi32>
      %add3A_238 = arith.addi %add3A_193, %masked_cumsum3A_237 : vector<16xi32>
      %sub3A_239 = arith.constant 1 : i32
      %sub3A_240 = vector.broadcast %sub3A_239 : i32 to vector<16xi32>
      %sub3A_241 = arith.subi %add3A_238, %sub3A_240 : vector<16xi32>
      tpu.vector_store_idx %arg6[%sub3A_241], %or3A_229 masked %eq3A_211 : memref<16400xi32, #tpu.memory_space<vmem>>[vector<16xi32>], vector<16xi32>, vector<16xi1>
      %all_reduce_population_count3A_242 = tpu.all_reduce %eq3A_211 {dim = 0 : i64, kind = #tpu.reduction_kind<sum>} : vector<16xi1> -> vector<16xi32>
      %add3A_243 = arith.addi %add3A_193, %all_reduce_population_count3A_242 : vector<16xi32>
      %scan3A_244 = arith.constant 2 : i32
      %scan3A_245 = arith.addi %scan3A_150, %scan3A_244 : i32
      %mul3A_246 = arith.constant 1 : i32
      %mul3A_247 = arith.muli %scan3A_245, %mul3A_246 : i32
      %add3A_248 = arith.constant 0 : i32
      %add3A_249 = arith.addi %add3A_248, %mul3A_247 : i32
      %mul3A_250 = arith.constant 16 : i32
      %mul3A_251 = arith.muli %add3A_249, %mul3A_250 : i32
      %get3A_252 = arith.index_cast %mul3A_251 : i32 to index
      %get3A_253 = tpu.vector_load %arg5[%get3A_252] {strides = array<i32>} : memref<16384xi32, #tpu.memory_space<vmem>>, vector<16xi32>,
      %shift_right_arithmetic3A_254 = arith.constant 8 : i32
      %shift_right_arithmetic3A_255 = vector.broadcast %shift_right_arithmetic3A_254 : i32 to vector<16xi32>
      %shift_right_arithmetic3A_256 = arith.shrsi %get3A_253, %shift_right_arithmetic3A_255 : vector<16xi32>
      %and3A_257 = arith.constant 31 : i32
      %and3A_258 = vector.broadcast %and3A_257 : i32 to vector<16xi32>
      %and3A_259 = arith.andi %shift_right_arithmetic3A_256, %and3A_258 : vector<16xi32>
      %eq3A_260 = vector.broadcast %add3A : i32 to vector<16xi32>
      %eq3A_261 = arith.cmpi eq, %and3A_259, %eq3A_260 : vector<16xi32>
      %shift_right_arithmetic3A_262 = arith.constant 13 : i32
      %shift_right_arithmetic3A_263 = vector.broadcast %shift_right_arithmetic3A_262 : i32 to vector<16xi32>
      %shift_right_arithmetic3A_264 = arith.shrsi %get3A_253, %shift_right_arithmetic3A_263 : vector<16xi32>
      %shift_left3A_265 = arith.constant 22 : i32
      %shift_left3A_266 = vector.broadcast %shift_left3A_265 : i32 to vector<16xi32>
      %shift_left3A_267 = arith.shli %shift_right_arithmetic3A_264, %shift_left3A_266 : vector<16xi32>
      %and3A_268 = arith.constant 255 : i32
      %and3A_269 = vector.broadcast %and3A_268 : i32 to vector<16xi32>
      %and3A_270 = arith.andi %get3A_253, %and3A_269 : vector<16xi32>
      %shift_left3A_271 = arith.constant 14 : i32
      %shift_left3A_272 = vector.broadcast %shift_left3A_271 : i32 to vector<16xi32>
      %shift_left3A_273 = arith.shli %and3A_270, %shift_left3A_272 : vector<16xi32>
      %or3A_274 = arith.ori %shift_left3A_267, %shift_left3A_273 : vector<16xi32>
      %mul3A_275 = arith.constant 16 : i32
      %mul3A_276 = arith.muli %add3A_249, %mul3A_275 : i32
      %add3A_277 = vector.broadcast %mul3A_276 : i32 to vector<16xi32>
      %add3A_278 = arith.addi %iota3A, %add3A_277 : vector<16xi32>
      %or3A_279 = arith.ori %or3A_274, %add3A_278 : vector<16xi32>
      %jit3A_280 = arith.constant 1 : i32
      %jit3A_281 = arith.constant 0 : i32
      %broadcast_in_dim3A_282 = vector.broadcast %jit3A_280 : i32 to vector<16xi32>
      %broadcast_in_dim3A_283 = vector.broadcast %jit3A_281 : i32 to vector<16xi32>
      %select_n3A_284 = arith.select %eq3A_261, %broadcast_in_dim3A_282, %broadcast_in_dim3A_283 : vector<16xi1>, vector<16xi32>
      %broadcast_in_dim3A_285 = arith.constant true
      %broadcast_in_dim3A_286 = vector.broadcast %broadcast_in_dim3A_285 : i1 to vector<16xi1>
      %masked_cumsum3A_287 = tpu.scan <sum>, %select_n3A_284 masked %broadcast_in_dim3A_286 : vector<16xi32>, vector<16xi1> -> vector<16xi32>
      %add3A_288 = arith.addi %add3A_243, %masked_cumsum3A_287 : vector<16xi32>
      %sub3A_289 = arith.constant 1 : i32
      %sub3A_290 = vector.broadcast %sub3A_289 : i32 to vector<16xi32>
      %sub3A_291 = arith.subi %add3A_288, %sub3A_290 : vector<16xi32>
      tpu.vector_store_idx %arg6[%sub3A_291], %or3A_279 masked %eq3A_261 : memref<16400xi32, #tpu.memory_space<vmem>>[vector<16xi32>], vector<16xi32>, vector<16xi1>
      %all_reduce_population_count3A_292 = tpu.all_reduce %eq3A_261 {dim = 0 : i64, kind = #tpu.reduction_kind<sum>} : vector<16xi1> -> vector<16xi32>
      %add3A_293 = arith.addi %add3A_243, %all_reduce_population_count3A_292 : vector<16xi32>
      %scan3A_294 = arith.constant 3 : i32
      %scan3A_295 = arith.addi %scan3A_150, %scan3A_294 : i32
      %mul3A_296 = arith.constant 1 : i32
      %mul3A_297 = arith.muli %scan3A_295, %mul3A_296 : i32
      %add3A_298 = arith.constant 0 : i32
      %add3A_299 = arith.addi %add3A_298, %mul3A_297 : i32
      %mul3A_300 = arith.constant 16 : i32
      %mul3A_301 = arith.muli %add3A_299, %mul3A_300 : i32
      %get3A_302 = arith.index_cast %mul3A_301 : i32 to index
      %get3A_303 = tpu.vector_load %arg5[%get3A_302] {strides = array<i32>} : memref<16384xi32, #tpu.memory_space<vmem>>, vector<16xi32>,
      %shift_right_arithmetic3A_304 = arith.constant 8 : i32
      %shift_right_arithmetic3A_305 = vector.broadcast %shift_right_arithmetic3A_304 : i32 to vector<16xi32>
      %shift_right_arithmetic3A_306 = arith.shrsi %get3A_303, %shift_right_arithmetic3A_305 : vector<16xi32>
      %and3A_307 = arith.constant 31 : i32
      %and3A_308 = vector.broadcast %and3A_307 : i32 to vector<16xi32>
      %and3A_309 = arith.andi %shift_right_arithmetic3A_306, %and3A_308 : vector<16xi32>
      %eq3A_310 = vector.broadcast %add3A : i32 to vector<16xi32>
      %eq3A_311 = arith.cmpi eq, %and3A_309, %eq3A_310 : vector<16xi32>
      %shift_right_arithmetic3A_312 = arith.constant 13 : i32
      %shift_right_arithmetic3A_313 = vector.broadcast %shift_right_arithmetic3A_312 : i32 to vector<16xi32>
      %shift_right_arithmetic3A_314 = arith.shrsi %get3A_303, %shift_right_arithmetic3A_313 : vector<16xi32>
      %shift_left3A_315 = arith.constant 22 : i32
      %shift_left3A_316 = vector.broadcast %shift_left3A_315 : i32 to vector<16xi32>
      %shift_left3A_317 = arith.shli %shift_right_arithmetic3A_314, %shift_left3A_316 : vector<16xi32>
      %and3A_318 = arith.constant 255 : i32
      %and3A_319 = vector.broadcast %and3A_318 : i32 to vector<16xi32>
      %and3A_320 = arith.andi %get3A_303, %and3A_319 : vector<16xi32>
      %shift_left3A_321 = arith.constant 14 : i32
      %shift_left3A_322 = vector.broadcast %shift_left3A_321 : i32 to vector<16xi32>
      %shift_left3A_323 = arith.shli %and3A_320, %shift_left3A_322 : vector<16xi32>
      %or3A_324 = arith.ori %shift_left3A_317, %shift_left3A_323 : vector<16xi32>
      %mul3A_325 = arith.constant 16 : i32
      %mul3A_326 = arith.muli %add3A_299, %mul3A_325 : i32
      %add3A_327 = vector.broadcast %mul3A_326 : i32 to vector<16xi32>
      %add3A_328 = arith.addi %iota3A, %add3A_327 : vector<16xi32>
      %or3A_329 = arith.ori %or3A_324, %add3A_328 : vector<16xi32>
      %jit3A_330 = arith.constant 1 : i32
      %jit3A_331 = arith.constant 0 : i32
      %broadcast_in_dim3A_332 = vector.broadcast %jit3A_330 : i32 to vector<16xi32>
      %broadcast_in_dim3A_333 = vector.broadcast %jit3A_331 : i32 to vector<16xi32>
      %select_n3A_334 = arith.select %eq3A_311, %broadcast_in_dim3A_332, %broadcast_in_dim3A_333 : vector<16xi1>, vector<16xi32>
      %broadcast_in_dim3A_335 = arith.constant true
      %broadcast_in_dim3A_336 = vector.broadcast %broadcast_in_dim3A_335 : i1 to vector<16xi1>
      %masked_cumsum3A_337 = tpu.scan <sum>, %select_n3A_334 masked %broadcast_in_dim3A_336 : vector<16xi32>, vector<16xi1> -> vector<16xi32>
      %add3A_338 = arith.addi %add3A_293, %masked_cumsum3A_337 : vector<16xi32>
      %sub3A_339 = arith.constant 1 : i32
      %sub3A_340 = vector.broadcast %sub3A_339 : i32 to vector<16xi32>
      %sub3A_341 = arith.subi %add3A_338, %sub3A_340 : vector<16xi32>
      tpu.vector_store_idx %arg6[%sub3A_341], %or3A_329 masked %eq3A_311 : memref<16400xi32, #tpu.memory_space<vmem>>[vector<16xi32>], vector<16xi32>, vector<16xi1>
      %all_reduce_population_count3A_342 = tpu.all_reduce %eq3A_311 {dim = 0 : i64, kind = #tpu.reduction_kind<sum>} : vector<16xi1> -> vector<16xi32>
      %add3A_343 = arith.addi %add3A_293, %all_reduce_population_count3A_342 : vector<16xi32>
      scf.yield %add3A_343 : vector<16xi32>
    }
    %scan3A_6 = arith.constant 1024 : i32
    %reduce_max3A = arith.constant true
    %reduce_max3A_7 = vector.broadcast %reduce_max3A : i1 to vector<16xi1>
    %reduce_max3A_8 = arith.constant -2147483648 : i32
    %reduce_max3A_9 = vector.broadcast %reduce_max3A_8 : i32 to vector<16xi32>
    %reduce_max3A_10 = arith.xori %scan3A_5, %reduce_max3A_9 : vector<16xi32>
    %reduce_max3A_11 = tpu.scan <max>, %reduce_max3A_10 masked %reduce_max3A_7 : vector<16xi32>, vector<16xi1> -> vector<16xi32>
    %reduce_max3A_12 = arith.xori %reduce_max3A_11, %reduce_max3A_9 : vector<16xi32>
    %reduce_max3A_13 = vector.extract %reduce_max3A_12[15] : i32 from vector<16xi32>
    %add3A_14 = vector.broadcast %reduce_max3A_13 : i32 to vector<16xi32>
    %add3A_15 = arith.addi %add3A_14, %iota3A : vector<16xi32>
    %broadcast_in_dim3A_16 = arith.constant 2147483647 : i32
    %broadcast_in_dim3A_17 = vector.broadcast %broadcast_in_dim3A_16 : i32 to vector<16xi32>
    %eq3A = arith.cmpi eq, %iota3A, %iota3A : vector<16xi32>
    tpu.vector_store_idx %arg6[%add3A_15], %broadcast_in_dim3A_17 masked %eq3A : memref<16400xi32, #tpu.memory_space<vmem>>[vector<16xi32>], vector<16xi32>, vector<16xi1>
    %add3A_18 = arith.constant 16 : i32
    %add3A_19 = arith.addi %reduce_max3A_13, %add3A_18 : i32
    %sub3A = arith.constant 1 : i32
    %sub3A_20 = arith.subi %add3A_19, %sub3A : i32
    %jit3A = arith.constant 16 : i32
    %div3A = arith.divsi %sub3A_20, %jit3A : i32
    %sign3A = arith.constant 0 : i32
    %sign3A_21 = arith.cmpi sgt, %sub3A_20, %sign3A : i32
    %sign3A_22 = arith.extui %sign3A_21 : i1 to i32
    %sign3A_23 = arith.constant 0 : i32
    %sign3A_24 = arith.cmpi slt, %sub3A_20, %sign3A_23 : i32
    %sign3A_25 = arith.extui %sign3A_24 : i1 to i32
    %sign3A_26 = arith.subi %sign3A_22, %sign3A_25 : i32
    %sign3A_27 = arith.constant 0 : i32
    %sign3A_28 = arith.cmpi sgt, %jit3A, %sign3A_27 : i32
    %sign3A_29 = arith.extui %sign3A_28 : i1 to i32
    %sign3A_30 = arith.constant 0 : i32
    %sign3A_31 = arith.cmpi slt, %jit3A, %sign3A_30 : i32
    %sign3A_32 = arith.extui %sign3A_31 : i1 to i32
    %sign3A_33 = arith.subi %sign3A_29, %sign3A_32 : i32
    %ne3A = arith.cmpi ne, %sign3A_26, %sign3A_33 : i32
    %rem3A = arith.remsi %sub3A_20, %jit3A : i32
    %ne3A_34 = arith.constant 0 : i32
    %ne3A_35 = arith.cmpi ne, %rem3A, %ne3A_34 : i32
    %and3A = arith.andi %ne3A, %ne3A_35 : i1
    %sub3A_36 = arith.constant 1 : i32
    %sub3A_37 = arith.subi %div3A, %sub3A_36 : i32
    %select_n3A = arith.select %and3A, %sub3A_37, %div3A : i32
    %lt3A = arith.constant 2 : i32
    %lt3A_38 = arith.cmpi slt, %add3A, %lt3A : i32
    %jit3A_39 = arith.constant 1 : i32
    %jit3A_40 = arith.constant 0 : i32
    %select_n3A_41 = arith.select %lt3A_38, %jit3A_39, %jit3A_40 : i32
    %add3A_42 = arith.constant 122 : i32
    %add3A_43 = arith.addi %add3A_42, %select_n3A_41 : i32
    %add3A_44 = arith.constant 0 : i32
    %add3A_45 = arith.addi %add3A, %add3A_44 : i32
    %mul3A_46 = arith.constant 256 : i32
    %mul3A_47 = arith.muli %add3A_45, %mul3A_46 : i32
    %multiple_of3A = tpu.assume_multiple %mul3A_47, 128 : i32
    %dma_start3A = arith.constant 0 : i32
    %dma_start3A_48 = arith.constant 0 : i32
    %dma_start3A_49 = arith.constant 0 : i32
    %dma_start3A_50 = arith.constant 0 : i32
    %dma_start3A_51 = tpu.memref_slice %arg7[%dma_start3A, %dma_start3A_49, %dma_start3A_50] : memref<4x64x256xf32, #tpu.memory_space<vmem>> -> memref<1x64x256xf32, #tpu.memory_space<vmem>>
    %dma_start3A_52 = tpu.memref_squeeze %dma_start3A_51 : memref<1x64x256xf32, #tpu.memory_space<vmem>> -> memref<64x256xf32, #tpu.memory_space<vmem>>
    %dma_start3A_53 = arith.constant 0 : i32
    %dma_start3A_54 = tpu.memref_slice %arg2[%dma_start3A_53, %multiple_of3A] : memref<64x1000001xf32, #tpu.memory_space<hbm>> -> memref<64x256xf32, #tpu.memory_space<hbm>>
    %dma_start3A_55 = tpu.memref_slice %arg11[%dma_start3A_48] : memref<4x!tpu.dma_semaphore, #tpu.memory_space<semaphore_mem>> -> memref<1x!tpu.dma_semaphore, #tpu.memory_space<semaphore_mem>>
    %dma_start3A_56 = tpu.memref_squeeze %dma_start3A_55 : memref<1x!tpu.dma_semaphore, #tpu.memory_space<semaphore_mem>> -> memref<!tpu.dma_semaphore, #tpu.memory_space<semaphore_mem>>
    %dma_start3A_57 = arith.constant 0 : i32
    %dma_start3A_58 = arith.constant 0 : i32
    %dma_start3A_59 = tpu.memref_slice %arg7[%dma_start3A, %dma_start3A_57, %dma_start3A_58] : memref<4x64x256xf32, #tpu.memory_space<vmem>> -> memref<1x64x256xf32, #tpu.memory_space<vmem>>
    %dma_start3A_60 = tpu.memref_squeeze %dma_start3A_59 : memref<1x64x256xf32, #tpu.memory_space<vmem>> -> memref<64x256xf32, #tpu.memory_space<vmem>>
    %dma_start3A_61 = arith.constant 0 : i32
    %dma_start3A_62 = tpu.memref_slice %arg2[%dma_start3A_61, %multiple_of3A] : memref<64x1000001xf32, #tpu.memory_space<hbm>> -> memref<64x256xf32, #tpu.memory_space<hbm>>
    tpu.enqueue_dma source(%dma_start3A_62 : memref<64x256xf32, #tpu.memory_space<hbm>>) target(%dma_start3A_60 : memref<64x256xf32, #tpu.memory_space<vmem>>) target_semaphore(%dma_start3A_56 : memref<!tpu.dma_semaphore, #tpu.memory_space<semaphore_mem>>)
    %add3A_63 = arith.constant 32 : i32
    %add3A_64 = arith.addi %add3A, %add3A_63 : i32
    %mul3A_65 = arith.constant 256 : i32
    %mul3A_66 = arith.muli %add3A_64, %mul3A_65 : i32
    %multiple_of3A_67 = tpu.assume_multiple %mul3A_66, 128 : i32
    %dma_start3A_68 = arith.constant 1 : i32
    %dma_start3A_69 = arith.constant 1 : i32
    %dma_start3A_70 = arith.constant 0 : i32
    %dma_start3A_71 = arith.constant 0 : i32
    %dma_start3A_72 = tpu.memref_slice %arg7[%dma_start3A_68, %dma_start3A_70, %dma_start3A_71] : memref<4x64x256xf32, #tpu.memory_space<vmem>> -> memref<1x64x256xf32, #tpu.memory_space<vmem>>
    %dma_start3A_73 = tpu.memref_squeeze %dma_start3A_72 : memref<1x64x256xf32, #tpu.memory_space<vmem>> -> memref<64x256xf32, #tpu.memory_space<vmem>>
    %dma_start3A_74 = arith.constant 0 : i32
    %dma_start3A_75 = tpu.memref_slice %arg2[%dma_start3A_74, %multiple_of3A_67] : memref<64x1000001xf32, #tpu.memory_space<hbm>> -> memref<64x256xf32, #tpu.memory_space<hbm>>
    %dma_start3A_76 = tpu.memref_slice %arg11[%dma_start3A_69] : memref<4x!tpu.dma_semaphore, #tpu.memory_space<semaphore_mem>> -> memref<1x!tpu.dma_semaphore, #tpu.memory_space<semaphore_mem>>
    %dma_start3A_77 = tpu.memref_squeeze %dma_start3A_76 : memref<1x!tpu.dma_semaphore, #tpu.memory_space<semaphore_mem>> -> memref<!tpu.dma_semaphore, #tpu.memory_space<semaphore_mem>>
    %dma_start3A_78 = arith.constant 0 : i32
    %dma_start3A_79 = arith.constant 0 : i32
    %dma_start3A_80 = tpu.memref_slice %arg7[%dma_start3A_68, %dma_start3A_78, %dma_start3A_79] : memref<4x64x256xf32, #tpu.memory_space<vmem>> -> memref<1x64x256xf32, #tpu.memory_space<vmem>>
    %dma_start3A_81 = tpu.memref_squeeze %dma_start3A_80 : memref<1x64x256xf32, #tpu.memory_space<vmem>> -> memref<64x256xf32, #tpu.memory_space<vmem>>
    %dma_start3A_82 = arith.constant 0 : i32
    %dma_start3A_83 = tpu.memref_slice %arg2[%dma_start3A_82, %multiple_of3A_67] : memref<64x1000001xf32, #tpu.memory_space<hbm>> -> memref<64x256xf32, #tpu.memory_space<hbm>>
    tpu.enqueue_dma source(%dma_start3A_83 : memref<64x256xf32, #tpu.memory_space<hbm>>) target(%dma_start3A_81 : memref<64x256xf32, #tpu.memory_space<vmem>>) target_semaphore(%dma_start3A_77 : memref<!tpu.dma_semaphore, #tpu.memory_space<semaphore_mem>>)
    %add3A_84 = arith.constant 64 : i32
    %add3A_85 = arith.addi %add3A, %add3A_84 : i32
    %mul3A_86 = arith.constant 256 : i32
    %mul3A_87 = arith.muli %add3A_85, %mul3A_86 : i32
    %multiple_of3A_88 = tpu.assume_multiple %mul3A_87, 128 : i32
    %dma_start3A_89 = arith.constant 2 : i32
    %dma_start3A_90 = arith.constant 2 : i32
    %dma_start3A_91 = arith.constant 0 : i32
    %dma_start3A_92 = arith.constant 0 : i32
    %dma_start3A_93 = tpu.memref_slice %arg7[%dma_start3A_89, %dma_start3A_91, %dma_start3A_92] : memref<4x64x256xf32, #tpu.memory_space<vmem>> -> memref<1x64x256xf32, #tpu.memory_space<vmem>>
    %dma_start3A_94 = tpu.memref_squeeze %dma_start3A_93 : memref<1x64x256xf32, #tpu.memory_space<vmem>> -> memref<64x256xf32, #tpu.memory_space<vmem>>
    %dma_start3A_95 = arith.constant 0 : i32
    %dma_start3A_96 = tpu.memref_slice %arg2[%dma_start3A_95, %multiple_of3A_88] : memref<64x1000001xf32, #tpu.memory_space<hbm>> -> memref<64x256xf32, #tpu.memory_space<hbm>>
    %dma_start3A_97 = tpu.memref_slice %arg11[%dma_start3A_90] : memref<4x!tpu.dma_semaphore, #tpu.memory_space<semaphore_mem>> -> memref<1x!tpu.dma_semaphore, #tpu.memory_space<semaphore_mem>>
    %dma_start3A_98 = tpu.memref_squeeze %dma_start3A_97 : memref<1x!tpu.dma_semaphore, #tpu.memory_space<semaphore_mem>> -> memref<!tpu.dma_semaphore, #tpu.memory_space<semaphore_mem>>
    %dma_start3A_99 = arith.constant 0 : i32
    %dma_start3A_100 = arith.constant 0 : i32
    %dma_start3A_101 = tpu.memref_slice %arg7[%dma_start3A_89, %dma_start3A_99, %dma_start3A_100] : memref<4x64x256xf32, #tpu.memory_space<vmem>> -> memref<1x64x256xf32, #tpu.memory_space<vmem>>
    %dma_start3A_102 = tpu.memref_squeeze %dma_start3A_101 : memref<1x64x256xf32, #tpu.memory_space<vmem>> -> memref<64x256xf32, #tpu.memory_space<vmem>>
    %dma_start3A_103 = arith.constant 0 : i32
    %dma_start3A_104 = tpu.memref_slice %arg2[%dma_start3A_103, %multiple_of3A_88] : memref<64x1000001xf32, #tpu.memory_space<hbm>> -> memref<64x256xf32, #tpu.memory_space<hbm>>
    tpu.enqueue_dma source(%dma_start3A_104 : memref<64x256xf32, #tpu.memory_space<hbm>>) target(%dma_start3A_102 : memref<64x256xf32, #tpu.memory_space<vmem>>) target_semaphore(%dma_start3A_98 : memref<!tpu.dma_semaphore, #tpu.memory_space<semaphore_mem>>)
    %sub3A_105 = arith.constant 0 : i32
    %sub3A_106 = arith.subi %add3A_43, %sub3A_105 : i32
    %sub3A_107 = arith.constant 1 : i32
    %sub3A_108 = arith.constant 1 : i32
    %sub3A_109 = arith.subi %sub3A_107, %sub3A_108 : i32
    %add3A_110 = arith.addi %sub3A_106, %sub3A_109 : i32
    %div3A_111 = arith.constant 1 : i32
    %div3A_112 = arith.divsi %add3A_110, %div3A_111 : i32
    %while3A = arith.constant 1 : i32
    %while3A_113 = arith.constant 0 : i32
    %while3A_114 = arith.constant 0 : i32
    %while3A_115 = arith.constant 0 : i32
    %while3A_116 = arith.subi %div3A_112, %while3A_114 : i32
    %while3A_117 = arith.addi %while3A_114, %while3A_116 : i32
    %while3A_118 = arith.constant 1 : i32
    %while3A_119 = arith.divsi %while3A_116, %while3A_118 : i32
    %while3A_120 = arith.muli %while3A_119, %while3A_118 : i32
    %while3A_121 = arith.addi %while3A_114, %while3A_120 : i32
    %while3A_122 = arith.constant 1 : i32
    %while3A_123 = scf.for %while3A_150 = %while3A_114 to %while3A_121 step %while3A_122 iter_args(%while3A_151 = %while3A_115) -> (i32)  : i32 {
      %mul3A_152 = arith.muli %while3A_150, %while3A : i32
      %add3A_153 = arith.addi %while3A_113, %mul3A_152 : i32
      %add3A_154 = arith.constant 3 : i32
      %add3A_155 = arith.addi %add3A_153, %add3A_154 : i32
      %lt3A_156 = arith.cmpi slt, %add3A_155, %add3A_43 : i32
      %convert_element_type3A_157 = arith.extui %lt3A_156 : i1 to i32
      %cond3A_158 = arith.constant 0 : i32
      %cond3A_159 = arith.cmpi ne, %convert_element_type3A_157, %cond3A_158 : i32
      scf.if %cond3A_159 {
        %add3A_206 = arith.constant 3 : i32
        %add3A_207 = arith.addi %add3A_153, %add3A_206 : i32
        %mul3A_208 = arith.constant 32 : i32
        %mul3A_209 = arith.muli %mul3A_208, %add3A_207 : i32
        %add3A_210 = arith.addi %add3A, %mul3A_209 : i32
        %mul3A_211 = arith.constant 256 : i32
        %mul3A_212 = arith.muli %add3A_210, %mul3A_211 : i32
        %multiple_of3A_213 = tpu.assume_multiple %mul3A_212, 128 : i32
        %and3A_214 = arith.constant 3 : i32
        %and3A_215 = arith.andi %add3A_207, %and3A_214 : i32
        %and3A_216 = arith.constant 3 : i32
        %and3A_217 = arith.andi %add3A_207, %and3A_216 : i32
        %dma_start3A_218 = arith.constant 0 : i32
        %dma_start3A_219 = arith.constant 0 : i32
        %dma_start3A_220 = tpu.memref_slice %arg7[%and3A_215, %dma_start3A_218, %dma_start3A_219] : memref<4x64x256xf32, #tpu.memory_space<vmem>> -> memref<1x64x256xf32, #tpu.memory_space<vmem>>
        %dma_start3A_221 = tpu.memref_squeeze %dma_start3A_220 : memref<1x64x256xf32, #tpu.memory_space<vmem>> -> memref<64x256xf32, #tpu.memory_space<vmem>>
        %dma_start3A_222 = arith.constant 0 : i32
        %dma_start3A_223 = tpu.memref_slice %arg2[%dma_start3A_222, %multiple_of3A_213] : memref<64x1000001xf32, #tpu.memory_space<hbm>> -> memref<64x256xf32, #tpu.memory_space<hbm>>
        %dma_start3A_224 = tpu.memref_slice %arg11[%and3A_217] : memref<4x!tpu.dma_semaphore, #tpu.memory_space<semaphore_mem>> -> memref<1x!tpu.dma_semaphore, #tpu.memory_space<semaphore_mem>>
        %dma_start3A_225 = tpu.memref_squeeze %dma_start3A_224 : memref<1x!tpu.dma_semaphore, #tpu.memory_space<semaphore_mem>> -> memref<!tpu.dma_semaphore, #tpu.memory_space<semaphore_mem>>
        %dma_start3A_226 = arith.constant 0 : i32
        %dma_start3A_227 = arith.constant 0 : i32
        %dma_start3A_228 = tpu.memref_slice %arg7[%and3A_215, %dma_start3A_226, %dma_start3A_227] : memref<4x64x256xf32, #tpu.memory_space<vmem>> -> memref<1x64x256xf32, #tpu.memory_space<vmem>>
        %dma_start3A_229 = tpu.memref_squeeze %dma_start3A_228 : memref<1x64x256xf32, #tpu.memory_space<vmem>> -> memref<64x256xf32, #tpu.memory_space<vmem>>
        %dma_start3A_230 = arith.constant 0 : i32
        %dma_start3A_231 = tpu.memref_slice %arg2[%dma_start3A_230, %multiple_of3A_213] : memref<64x1000001xf32, #tpu.memory_space<hbm>> -> memref<64x256xf32, #tpu.memory_space<hbm>>
        tpu.enqueue_dma source(%dma_start3A_231 : memref<64x256xf32, #tpu.memory_space<hbm>>) target(%dma_start3A_229 : memref<64x256xf32, #tpu.memory_space<vmem>>) target_semaphore(%dma_start3A_225 : memref<!tpu.dma_semaphore, #tpu.memory_space<semaphore_mem>>)
      } else {
      }
      %mul3A_160 = arith.constant 32 : i32
      %mul3A_161 = arith.muli %mul3A_160, %add3A_153 : i32
      %add3A_162 = arith.addi %add3A, %mul3A_161 : i32
      %mul3A_163 = arith.constant 256 : i32
      %mul3A_164 = arith.muli %add3A_162, %mul3A_163 : i32
      %multiple_of3A_165 = tpu.assume_multiple %mul3A_164, 128 : i32
      %and3A_166 = arith.constant 3 : i32
      %and3A_167 = arith.andi %add3A_153, %and3A_166 : i32
      %and3A_168 = arith.constant 3 : i32
      %and3A_169 = arith.andi %add3A_153, %and3A_168 : i32
      %dma_wait3A = arith.constant 0 : i32
      %dma_wait3A_170 = arith.constant 0 : i32
      %dma_wait3A_171 = tpu.memref_slice %arg7[%and3A_167, %dma_wait3A, %dma_wait3A_170] : memref<4x64x256xf32, #tpu.memory_space<vmem>> -> memref<1x64x256xf32, #tpu.memory_space<vmem>>
      %dma_wait3A_172 = tpu.memref_squeeze %dma_wait3A_171 : memref<1x64x256xf32, #tpu.memory_space<vmem>> -> memref<64x256xf32, #tpu.memory_space<vmem>>
      %dma_wait3A_173 = arith.constant 0 : i32
      %dma_wait3A_174 = tpu.memref_slice %arg2[%dma_wait3A_173, %multiple_of3A_165] : memref<64x1000001xf32, #tpu.memory_space<hbm>> -> memref<64x256xf32, #tpu.memory_space<hbm>>
      %dma_wait3A_175 = tpu.memref_slice %arg11[%and3A_169] : memref<4x!tpu.dma_semaphore, #tpu.memory_space<semaphore_mem>> -> memref<1x!tpu.dma_semaphore, #tpu.memory_space<semaphore_mem>>
      %dma_wait3A_176 = tpu.memref_squeeze %dma_wait3A_175 : memref<1x!tpu.dma_semaphore, #tpu.memory_space<semaphore_mem>> -> memref<!tpu.dma_semaphore, #tpu.memory_space<semaphore_mem>>
      %dma_wait3A_177 = arith.constant 0 : i32
      %dma_wait3A_178 = arith.constant 0 : i32
      %dma_wait3A_179 = tpu.memref_slice %arg7[%and3A_167, %dma_wait3A_177, %dma_wait3A_178] : memref<4x64x256xf32, #tpu.memory_space<vmem>> -> memref<1x64x256xf32, #tpu.memory_space<vmem>>
      %dma_wait3A_180 = tpu.memref_squeeze %dma_wait3A_179 : memref<1x64x256xf32, #tpu.memory_space<vmem>> -> memref<64x256xf32, #tpu.memory_space<vmem>>
      %dma_wait3A_181 = arith.constant 0 : i32
      %dma_wait3A_182 = tpu.memref_slice %arg2[%dma_wait3A_181, %multiple_of3A_165] : memref<64x1000001xf32, #tpu.memory_space<hbm>> -> memref<64x256xf32, #tpu.memory_space<hbm>>
      tpu.wait_dma2 semaphore(%dma_wait3A_176 : memref<!tpu.dma_semaphore, #tpu.memory_space<semaphore_mem>>) src(%dma_wait3A_182 : memref<64x256xf32, #tpu.memory_space<hbm>>) dst(%dma_wait3A_180 : memref<64x256xf32, #tpu.memory_space<vmem>>)
      %and3A_183 = arith.constant 3 : i32
      %and3A_184 = arith.andi %add3A_153, %and3A_183 : i32
      %sub3A_185 = arith.constant 0 : i32
      %sub3A_186 = arith.subi %select_n3A, %sub3A_185 : i32
      %sub3A_187 = arith.constant 1 : i32
      %sub3A_188 = arith.constant 1 : i32
      %sub3A_189 = arith.subi %sub3A_187, %sub3A_188 : i32
      %add3A_190 = arith.addi %sub3A_186, %sub3A_189 : i32
      %div3A_191 = arith.constant 1 : i32
      %div3A_192 = arith.divsi %add3A_190, %div3A_191 : i32
      %while3A_193 = arith.constant 1 : i32
      %while3A_194 = arith.constant 0 : i32
      %while3A_195 = arith.constant 0 : i32
      %while3A_196 = arith.subi %div3A_192, %while3A_195 : i32
      %while3A_197 = arith.addi %while3A_195, %while3A_196 : i32
      %while3A_198 = arith.constant 1 : i32
      %while3A_199 = arith.divsi %while3A_196, %while3A_198 : i32
      %while3A_200 = arith.muli %while3A_199, %while3A_198 : i32
      %while3A_201 = arith.addi %while3A_195, %while3A_200 : i32
      %while3A_202 = arith.constant 1 : i32
      %while3A_203 = scf.for %while3A_206 = %while3A_195 to %while3A_201 step %while3A_202 iter_args(%while3A_207 = %while3A_151) -> (i32)  : i32 {
        %mul3A_208 = arith.muli %while3A_206, %while3A_193 : i32
        %add3A_209 = arith.addi %while3A_194, %mul3A_208 : i32
        %mul3A_210 = arith.constant 16 : i32
        %mul3A_211 = arith.muli %add3A_209, %mul3A_210 : i32
        %get3A = arith.index_cast %mul3A_211 : i32 to index
        %get3A_212 = tpu.vector_load %arg6[%get3A] {strides = array<i32>} : memref<16400xi32, #tpu.memory_space<vmem>>, vector<16xi32>,
        %shift_right_arithmetic3A = arith.constant 22 : i32
        %shift_right_arithmetic3A_213 = vector.broadcast %shift_right_arithmetic3A : i32 to vector<16xi32>
        %shift_right_arithmetic3A_214 = arith.shrsi %get3A_212, %shift_right_arithmetic3A_213 : vector<16xi32>
        %eq3A_215 = vector.broadcast %add3A_153 : i32 to vector<16xi32>
        %eq3A_216 = arith.cmpi eq, %shift_right_arithmetic3A_214, %eq3A_215 : vector<16xi32>
        %while3A_217:2 = scf.while (%while3A_218 = %eq3A_216, %while3A_219 = %while3A_207) : (vector<16xi1>, i32) -> (vector<16xi1>, i32) {
          %reduce_or3A = arith.constant 1.000000e+00 : f32
          %reduce_or3A_220 = arith.constant 0.000000e+00 : f32
          %reduce_or3A_221 = vector.broadcast %reduce_or3A : f32 to vector<16xf32>
          %reduce_or3A_222 = vector.broadcast %reduce_or3A_220 : f32 to vector<16xf32>
          %reduce_or3A_223 = arith.select %while3A_218, %reduce_or3A_221, %reduce_or3A_222 : vector<16xi1>, vector<16xf32>
          %reduce_or3A_224 = arith.constant true
          %reduce_or3A_225 = vector.broadcast %reduce_or3A_224 : i1 to vector<16xi1>
          %reduce_or3A_226 = tpu.scan <max>, %reduce_or3A_223 masked %reduce_or3A_225 : vector<16xf32>, vector<16xi1> -> vector<16xf32>
          %reduce_or3A_227 = vector.extract %reduce_or3A_226[15] : f32 from vector<16xf32>
          %reduce_or3A_228 = arith.constant 0.000000e+00 : f32
          %reduce_or3A_229 = arith.cmpf ogt, %reduce_or3A_227, %reduce_or3A_228 : f32
          scf.condition(%reduce_or3A_229) %while3A_218, %while3A_219 : vector<16xi1>, i32
        } do {
        ^bb0(%while3A_218: vector<16xi1>, %while3A_219: i32):
          %all_reduce_ffs3A = tpu.all_reduce %while3A_218 {dim = 0 : i64, kind = #tpu.reduction_kind<find_first_set>} : vector<16xi1> -> vector<16xi32>
          %eq3A_220 = arith.cmpi eq, %iota3A, %all_reduce_ffs3A : vector<16xi32>
          %jit3A_221 = arith.constant 0 : i32
          %broadcast_in_dim3A_222 = vector.broadcast %jit3A_221 : i32 to vector<16xi32>
          %select_n3A_223 = arith.select %eq3A_220, %get3A_212, %broadcast_in_dim3A_222 : vector<16xi1>, vector<16xi32>
          %reduce_sum3A = arith.constant true
          %reduce_sum3A_224 = vector.broadcast %reduce_sum3A : i1 to vector<16xi1>
          %reduce_sum3A_225 = tpu.scan <sum>, %select_n3A_223 masked %reduce_sum3A_224 : vector<16xi32>, vector<16xi1> -> vector<16xi32>
          %reduce_sum3A_226 = vector.extract %reduce_sum3A_225[15] : i32 from vector<16xi32>
          %shift_right_arithmetic3A_227 = arith.constant 14 : i32
          %shift_right_arithmetic3A_228 = arith.shrsi %reduce_sum3A_226, %shift_right_arithmetic3A_227 : i32
          %and3A_229 = arith.constant 255 : i32
          %and3A_230 = arith.andi %shift_right_arithmetic3A_228, %and3A_229 : i32
          %and3A_231 = arith.constant 16383 : i32
          %and3A_232 = arith.andi %reduce_sum3A_226, %and3A_231 : i32
          %broadcast_in_dim3A_233 = vector.broadcast %and3A_230 : i32 to vector<16xi32>
          %and3A_234 = arith.constant 63 : i32
          %and3A_235 = arith.andi %while3A_219, %and3A_234 : i32
          %ge3A = arith.constant 64 : i32
          %ge3A_236 = arith.cmpi sge, %while3A_219, %ge3A : i32
          %convert_element_type3A_237 = arith.extui %ge3A_236 : i1 to i32
          %cond3A_238 = arith.constant 0 : i32
          %cond3A_239 = arith.cmpi ne, %convert_element_type3A_237, %cond3A_238 : i32
          scf.if %cond3A_239 {
            %dma_wait3A_294 = arith.constant 0 : i32
            %dma_wait3A_295 = arith.constant 0 : i32
            %dma_wait3A_296 = tpu.memref_slice %arg9[%dma_wait3A_294, %dma_wait3A_295] : memref<64x64xf32, #tpu.memory_space<vmem>> -> memref<1x64xf32, #tpu.memory_space<vmem>>
            %dma_wait3A_297 = arith.constant 0 : i32
            %dma_wait3A_298 = arith.constant 0 : i32
            %dma_wait3A_299 = tpu.memref_slice %arg4[%dma_wait3A_297, %dma_wait3A_298] : memref<16384x64xf32, #tpu.memory_space<hbm>> -> memref<1x64xf32, #tpu.memory_space<hbm>>
            %dma_wait3A_300 = arith.constant 0 : i32
            %dma_wait3A_301 = arith.constant 0 : i32
            %dma_wait3A_302 = tpu.memref_slice %arg9[%dma_wait3A_300, %dma_wait3A_301] : memref<64x64xf32, #tpu.memory_space<vmem>> -> memref<1x64xf32, #tpu.memory_space<vmem>>
            %dma_wait3A_303 = arith.constant 0 : i32
            %dma_wait3A_304 = arith.constant 0 : i32
            %dma_wait3A_305 = tpu.memref_slice %arg4[%dma_wait3A_303, %dma_wait3A_304] : memref<16384x64xf32, #tpu.memory_space<hbm>> -> memref<1x64xf32, #tpu.memory_space<hbm>>
            tpu.wait_dma2 semaphore(%arg12 : memref<!tpu.dma_semaphore, #tpu.memory_space<semaphore_mem>>) src(%dma_wait3A_305 : memref<1x64xf32, #tpu.memory_space<hbm>>) dst(%dma_wait3A_302 : memref<1x64xf32, #tpu.memory_space<vmem>>)
          } else {
          }
          %add3A_240 = arith.constant 0 : i32
          %add3A_241 = vector.broadcast %add3A_240 : i32 to vector<16xi32>
          %add3A_242 = arith.addi %iota3A, %add3A_241 : vector<16xi32>
          %gather3A = arith.constant 0 : i32
          %gather3A_243 = arith.constant 0 : i32
          %gather3A_244 = tpu.memref_slice %arg7[%and3A_184, %gather3A, %gather3A_243] : memref<4x64x256xf32, #tpu.memory_space<vmem>> -> memref<1x64x256xf32, #tpu.memory_space<vmem>>
          %gather3A_245 = tpu.memref_squeeze %gather3A_244 : memref<1x64x256xf32, #tpu.memory_space<vmem>> -> memref<64x256xf32, #tpu.memory_space<vmem>>
          %gather3A_246 = tpu.vector_load_idx %gather3A_245[%add3A_242, %broadcast_in_dim3A_233] : memref<64x256xf32, #tpu.memory_space<vmem>>[vector<16xi32>, vector<16xi32>], vector<16xf32>,
          %swap3A = arith.index_cast %and3A_235 : i32 to index
          %swap3A_247 = arith.constant 0 : index
          %swap3A_248 = tpu.vector_load %arg9[%swap3A, %swap3A_247] {strides = array<i32>} : memref<64x64xf32, #tpu.memory_space<vmem>>, vector<16xf32>,
          tpu.vector_store %arg9[%swap3A, %swap3A_247], %gather3A_246 {strides = array<i32>} : memref<64x64xf32, #tpu.memory_space<vmem>>, vector<16xf32>,
          %add3A_249 = arith.constant 16 : i32
          %add3A_250 = vector.broadcast %add3A_249 : i32 to vector<16xi32>
          %add3A_251 = arith.addi %iota3A, %add3A_250 : vector<16xi32>
          %gather3A_252 = arith.constant 0 : i32
          %gather3A_253 = arith.constant 0 : i32
          %gather3A_254 = tpu.memref_slice %arg7[%and3A_184, %gather3A_252, %gather3A_253] : memref<4x64x256xf32, #tpu.memory_space<vmem>> -> memref<1x64x256xf32, #tpu.memory_space<vmem>>
          %gather3A_255 = tpu.memref_squeeze %gather3A_254 : memref<1x64x256xf32, #tpu.memory_space<vmem>> -> memref<64x256xf32, #tpu.memory_space<vmem>>
          %gather3A_256 = tpu.vector_load_idx %gather3A_255[%add3A_251, %broadcast_in_dim3A_233] : memref<64x256xf32, #tpu.memory_space<vmem>>[vector<16xi32>, vector<16xi32>], vector<16xf32>,
          %swap3A_257 = arith.index_cast %and3A_235 : i32 to index
          %swap3A_258 = arith.constant 16 : index
          %swap3A_259 = tpu.vector_load %arg9[%swap3A_257, %swap3A_258] {strides = array<i32>} : memref<64x64xf32, #tpu.memory_space<vmem>>, vector<16xf32>,
          tpu.vector_store %arg9[%swap3A_257, %swap3A_258], %gather3A_256 {strides = array<i32>} : memref<64x64xf32, #tpu.memory_space<vmem>>, vector<16xf32>,
          %add3A_260 = arith.constant 32 : i32
          %add3A_261 = vector.broadcast %add3A_260 : i32 to vector<16xi32>
          %add3A_262 = arith.addi %iota3A, %add3A_261 : vector<16xi32>
          %gather3A_263 = arith.constant 0 : i32
          %gather3A_264 = arith.constant 0 : i32
          %gather3A_265 = tpu.memref_slice %arg7[%and3A_184, %gather3A_263, %gather3A_264] : memref<4x64x256xf32, #tpu.memory_space<vmem>> -> memref<1x64x256xf32, #tpu.memory_space<vmem>>
          %gather3A_266 = tpu.memref_squeeze %gather3A_265 : memref<1x64x256xf32, #tpu.memory_space<vmem>> -> memref<64x256xf32, #tpu.memory_space<vmem>>
          %gather3A_267 = tpu.vector_load_idx %gather3A_266[%add3A_262, %broadcast_in_dim3A_233] : memref<64x256xf32, #tpu.memory_space<vmem>>[vector<16xi32>, vector<16xi32>], vector<16xf32>,
          %swap3A_268 = arith.index_cast %and3A_235 : i32 to index
          %swap3A_269 = arith.constant 32 : index
          %swap3A_270 = tpu.vector_load %arg9[%swap3A_268, %swap3A_269] {strides = array<i32>} : memref<64x64xf32, #tpu.memory_space<vmem>>, vector<16xf32>,
          tpu.vector_store %arg9[%swap3A_268, %swap3A_269], %gather3A_267 {strides = array<i32>} : memref<64x64xf32, #tpu.memory_space<vmem>>, vector<16xf32>,
          %add3A_271 = arith.constant 48 : i32
          %add3A_272 = vector.broadcast %add3A_271 : i32 to vector<16xi32>
          %add3A_273 = arith.addi %iota3A, %add3A_272 : vector<16xi32>
          %gather3A_274 = arith.constant 0 : i32
          %gather3A_275 = arith.constant 0 : i32
          %gather3A_276 = tpu.memref_slice %arg7[%and3A_184, %gather3A_274, %gather3A_275] : memref<4x64x256xf32, #tpu.memory_space<vmem>> -> memref<1x64x256xf32, #tpu.memory_space<vmem>>
          %gather3A_277 = tpu.memref_squeeze %gather3A_276 : memref<1x64x256xf32, #tpu.memory_space<vmem>> -> memref<64x256xf32, #tpu.memory_space<vmem>>
          %gather3A_278 = tpu.vector_load_idx %gather3A_277[%add3A_273, %broadcast_in_dim3A_233] : memref<64x256xf32, #tpu.memory_space<vmem>>[vector<16xi32>, vector<16xi32>], vector<16xf32>,
          %swap3A_279 = arith.index_cast %and3A_235 : i32 to index
          %swap3A_280 = arith.constant 48 : index
          %swap3A_281 = tpu.vector_load %arg9[%swap3A_279, %swap3A_280] {strides = array<i32>} : memref<64x64xf32, #tpu.memory_space<vmem>>, vector<16xf32>,
          tpu.vector_store %arg9[%swap3A_279, %swap3A_280], %gather3A_278 {strides = array<i32>} : memref<64x64xf32, #tpu.memory_space<vmem>>, vector<16xf32>,
          %dma_start3A_282 = arith.constant 0 : i32
          %dma_start3A_283 = tpu.memref_slice %arg9[%and3A_235, %dma_start3A_282] : memref<64x64xf32, #tpu.memory_space<vmem>> -> memref<1x64xf32, #tpu.memory_space<vmem>>
          %dma_start3A_284 = arith.constant 0 : i32
          %dma_start3A_285 = tpu.memref_slice %arg4[%and3A_232, %dma_start3A_284] : memref<16384x64xf32, #tpu.memory_space<hbm>> -> memref<1x64xf32, #tpu.memory_space<hbm>>
          %dma_start3A_286 = arith.constant 0 : i32
          %dma_start3A_287 = tpu.memref_slice %arg4[%and3A_232, %dma_start3A_286] : memref<16384x64xf32, #tpu.memory_space<hbm>> -> memref<1x64xf32, #tpu.memory_space<hbm>>
          %dma_start3A_288 = arith.constant 0 : i32
          %dma_start3A_289 = tpu.memref_slice %arg9[%and3A_235, %dma_start3A_288] : memref<64x64xf32, #tpu.memory_space<vmem>> -> memref<1x64xf32, #tpu.memory_space<vmem>>
          tpu.enqueue_dma source(%dma_start3A_289 : memref<1x64xf32, #tpu.memory_space<vmem>>) target(%dma_start3A_287 : memref<1x64xf32, #tpu.memory_space<hbm>>) target_semaphore(%arg12 : memref<!tpu.dma_semaphore, #tpu.memory_space<semaphore_mem>>)
          %ne3A_290 = arith.cmpi ne, %iota3A, %all_reduce_ffs3A : vector<16xi32>
          %and3A_291 = arith.andi %while3A_218, %ne3A_290 : vector<16xi1>
          %add3A_292 = arith.constant 1 : i32
          %add3A_293 = arith.addi %while3A_219, %add3A_292 : i32
          scf.yield %and3A_291, %add3A_293 : vector<16xi1>, i32
        }
        scf.yield %while3A_217#1 : i32
      }
      %while3A_204 = arith.constant 1 : i32
      %while3A_205 = scf.for %while3A_206 = %while3A_201 to %while3A_197 step %while3A_204 iter_args(%while3A_207 = %while3A_203) -> (i32)  : i32 {
        %mul3A_208 = arith.muli %while3A_206, %while3A_193 : i32
        %add3A_209 = arith.addi %while3A_194, %mul3A_208 : i32
        %mul3A_210 = arith.constant 16 : i32
        %mul3A_211 = arith.muli %add3A_209, %mul3A_210 : i32
        %get3A = arith.index_cast %mul3A_211 : i32 to index
        %get3A_212 = tpu.vector_load %arg6[%get3A] {strides = array<i32>} : memref<16400xi32, #tpu.memory_space<vmem>>, vector<16xi32>,
        %shift_right_arithmetic3A = arith.constant 22 : i32
        %shift_right_arithmetic3A_213 = vector.broadcast %shift_right_arithmetic3A : i32 to vector<16xi32>
        %shift_right_arithmetic3A_214 = arith.shrsi %get3A_212, %shift_right_arithmetic3A_213 : vector<16xi32>
        %eq3A_215 = vector.broadcast %add3A_153 : i32 to vector<16xi32>
        %eq3A_216 = arith.cmpi eq, %shift_right_arithmetic3A_214, %eq3A_215 : vector<16xi32>
        %while3A_217:2 = scf.while (%while3A_218 = %eq3A_216, %while3A_219 = %while3A_207) : (vector<16xi1>, i32) -> (vector<16xi1>, i32) {
          %reduce_or3A = arith.constant 1.000000e+00 : f32
          %reduce_or3A_220 = arith.constant 0.000000e+00 : f32
          %reduce_or3A_221 = vector.broadcast %reduce_or3A : f32 to vector<16xf32>
          %reduce_or3A_222 = vector.broadcast %reduce_or3A_220 : f32 to vector<16xf32>
          %reduce_or3A_223 = arith.select %while3A_218, %reduce_or3A_221, %reduce_or3A_222 : vector<16xi1>, vector<16xf32>
          %reduce_or3A_224 = arith.constant true
          %reduce_or3A_225 = vector.broadcast %reduce_or3A_224 : i1 to vector<16xi1>
          %reduce_or3A_226 = tpu.scan <max>, %reduce_or3A_223 masked %reduce_or3A_225 : vector<16xf32>, vector<16xi1> -> vector<16xf32>
          %reduce_or3A_227 = vector.extract %reduce_or3A_226[15] : f32 from vector<16xf32>
          %reduce_or3A_228 = arith.constant 0.000000e+00 : f32
          %reduce_or3A_229 = arith.cmpf ogt, %reduce_or3A_227, %reduce_or3A_228 : f32
          scf.condition(%reduce_or3A_229) %while3A_218, %while3A_219 : vector<16xi1>, i32
        } do {
        ^bb0(%while3A_218: vector<16xi1>, %while3A_219: i32):
          %all_reduce_ffs3A = tpu.all_reduce %while3A_218 {dim = 0 : i64, kind = #tpu.reduction_kind<find_first_set>} : vector<16xi1> -> vector<16xi32>
          %eq3A_220 = arith.cmpi eq, %iota3A, %all_reduce_ffs3A : vector<16xi32>
          %jit3A_221 = arith.constant 0 : i32
          %broadcast_in_dim3A_222 = vector.broadcast %jit3A_221 : i32 to vector<16xi32>
          %select_n3A_223 = arith.select %eq3A_220, %get3A_212, %broadcast_in_dim3A_222 : vector<16xi1>, vector<16xi32>
          %reduce_sum3A = arith.constant true
          %reduce_sum3A_224 = vector.broadcast %reduce_sum3A : i1 to vector<16xi1>
          %reduce_sum3A_225 = tpu.scan <sum>, %select_n3A_223 masked %reduce_sum3A_224 : vector<16xi32>, vector<16xi1> -> vector<16xi32>
          %reduce_sum3A_226 = vector.extract %reduce_sum3A_225[15] : i32 from vector<16xi32>
          %shift_right_arithmetic3A_227 = arith.constant 14 : i32
          %shift_right_arithmetic3A_228 = arith.shrsi %reduce_sum3A_226, %shift_right_arithmetic3A_227 : i32
          %and3A_229 = arith.constant 255 : i32
          %and3A_230 = arith.andi %shift_right_arithmetic3A_228, %and3A_229 : i32
          %and3A_231 = arith.constant 16383 : i32
          %and3A_232 = arith.andi %reduce_sum3A_226, %and3A_231 : i32
          %broadcast_in_dim3A_233 = vector.broadcast %and3A_230 : i32 to vector<16xi32>
          %and3A_234 = arith.constant 63 : i32
          %and3A_235 = arith.andi %while3A_219, %and3A_234 : i32
          %ge3A = arith.constant 64 : i32
          %ge3A_236 = arith.cmpi sge, %while3A_219, %ge3A : i32
          %convert_element_type3A_237 = arith.extui %ge3A_236 : i1 to i32
          %cond3A_238 = arith.constant 0 : i32
          %cond3A_239 = arith.cmpi ne, %convert_element_type3A_237, %cond3A_238 : i32
          scf.if %cond3A_239 {
            %dma_wait3A_294 = arith.constant 0 : i32
            %dma_wait3A_295 = arith.constant 0 : i32
            %dma_wait3A_296 = tpu.memref_slice %arg9[%dma_wait3A_294, %dma_wait3A_295] : memref<64x64xf32, #tpu.memory_space<vmem>> -> memref<1x64xf32, #tpu.memory_space<vmem>>
            %dma_wait3A_297 = arith.constant 0 : i32
            %dma_wait3A_298 = arith.constant 0 : i32
            %dma_wait3A_299 = tpu.memref_slice %arg4[%dma_wait3A_297, %dma_wait3A_298] : memref<16384x64xf32, #tpu.memory_space<hbm>> -> memref<1x64xf32, #tpu.memory_space<hbm>>
            %dma_wait3A_300 = arith.constant 0 : i32
            %dma_wait3A_301 = arith.constant 0 : i32
            %dma_wait3A_302 = tpu.memref_slice %arg9[%dma_wait3A_300, %dma_wait3A_301] : memref<64x64xf32, #tpu.memory_space<vmem>> -> memref<1x64xf32, #tpu.memory_space<vmem>>
            %dma_wait3A_303 = arith.constant 0 : i32
            %dma_wait3A_304 = arith.constant 0 : i32
            %dma_wait3A_305 = tpu.memref_slice %arg4[%dma_wait3A_303, %dma_wait3A_304] : memref<16384x64xf32, #tpu.memory_space<hbm>> -> memref<1x64xf32, #tpu.memory_space<hbm>>
            tpu.wait_dma2 semaphore(%arg12 : memref<!tpu.dma_semaphore, #tpu.memory_space<semaphore_mem>>) src(%dma_wait3A_305 : memref<1x64xf32, #tpu.memory_space<hbm>>) dst(%dma_wait3A_302 : memref<1x64xf32, #tpu.memory_space<vmem>>)
          } else {
          }
          %add3A_240 = arith.constant 0 : i32
          %add3A_241 = vector.broadcast %add3A_240 : i32 to vector<16xi32>
          %add3A_242 = arith.addi %iota3A, %add3A_241 : vector<16xi32>
          %gather3A = arith.constant 0 : i32
          %gather3A_243 = arith.constant 0 : i32
          %gather3A_244 = tpu.memref_slice %arg7[%and3A_184, %gather3A, %gather3A_243] : memref<4x64x256xf32, #tpu.memory_space<vmem>> -> memref<1x64x256xf32, #tpu.memory_space<vmem>>
          %gather3A_245 = tpu.memref_squeeze %gather3A_244 : memref<1x64x256xf32, #tpu.memory_space<vmem>> -> memref<64x256xf32, #tpu.memory_space<vmem>>
          %gather3A_246 = tpu.vector_load_idx %gather3A_245[%add3A_242, %broadcast_in_dim3A_233] : memref<64x256xf32, #tpu.memory_space<vmem>>[vector<16xi32>, vector<16xi32>], vector<16xf32>,
          %swap3A = arith.index_cast %and3A_235 : i32 to index
          %swap3A_247 = arith.constant 0 : index
          %swap3A_248 = tpu.vector_load %arg9[%swap3A, %swap3A_247] {strides = array<i32>} : memref<64x64xf32, #tpu.memory_space<vmem>>, vector<16xf32>,
          tpu.vector_store %arg9[%swap3A, %swap3A_247], %gather3A_246 {strides = array<i32>} : memref<64x64xf32, #tpu.memory_space<vmem>>, vector<16xf32>,
          %add3A_249 = arith.constant 16 : i32
          %add3A_250 = vector.broadcast %add3A_249 : i32 to vector<16xi32>
          %add3A_251 = arith.addi %iota3A, %add3A_250 : vector<16xi32>
          %gather3A_252 = arith.constant 0 : i32
          %gather3A_253 = arith.constant 0 : i32
          %gather3A_254 = tpu.memref_slice %arg7[%and3A_184, %gather3A_252, %gather3A_253] : memref<4x64x256xf32, #tpu.memory_space<vmem>> -> memref<1x64x256xf32, #tpu.memory_space<vmem>>
          %gather3A_255 = tpu.memref_squeeze %gather3A_254 : memref<1x64x256xf32, #tpu.memory_space<vmem>> -> memref<64x256xf32, #tpu.memory_space<vmem>>
          %gather3A_256 = tpu.vector_load_idx %gather3A_255[%add3A_251, %broadcast_in_dim3A_233] : memref<64x256xf32, #tpu.memory_space<vmem>>[vector<16xi32>, vector<16xi32>], vector<16xf32>,
          %swap3A_257 = arith.index_cast %and3A_235 : i32 to index
          %swap3A_258 = arith.constant 16 : index
          %swap3A_259 = tpu.vector_load %arg9[%swap3A_257, %swap3A_258] {strides = array<i32>} : memref<64x64xf32, #tpu.memory_space<vmem>>, vector<16xf32>,
          tpu.vector_store %arg9[%swap3A_257, %swap3A_258], %gather3A_256 {strides = array<i32>} : memref<64x64xf32, #tpu.memory_space<vmem>>, vector<16xf32>,
          %add3A_260 = arith.constant 32 : i32
          %add3A_261 = vector.broadcast %add3A_260 : i32 to vector<16xi32>
          %add3A_262 = arith.addi %iota3A, %add3A_261 : vector<16xi32>
          %gather3A_263 = arith.constant 0 : i32
          %gather3A_264 = arith.constant 0 : i32
          %gather3A_265 = tpu.memref_slice %arg7[%and3A_184, %gather3A_263, %gather3A_264] : memref<4x64x256xf32, #tpu.memory_space<vmem>> -> memref<1x64x256xf32, #tpu.memory_space<vmem>>
          %gather3A_266 = tpu.memref_squeeze %gather3A_265 : memref<1x64x256xf32, #tpu.memory_space<vmem>> -> memref<64x256xf32, #tpu.memory_space<vmem>>
          %gather3A_267 = tpu.vector_load_idx %gather3A_266[%add3A_262, %broadcast_in_dim3A_233] : memref<64x256xf32, #tpu.memory_space<vmem>>[vector<16xi32>, vector<16xi32>], vector<16xf32>,
          %swap3A_268 = arith.index_cast %and3A_235 : i32 to index
          %swap3A_269 = arith.constant 32 : index
          %swap3A_270 = tpu.vector_load %arg9[%swap3A_268, %swap3A_269] {strides = array<i32>} : memref<64x64xf32, #tpu.memory_space<vmem>>, vector<16xf32>,
          tpu.vector_store %arg9[%swap3A_268, %swap3A_269], %gather3A_267 {strides = array<i32>} : memref<64x64xf32, #tpu.memory_space<vmem>>, vector<16xf32>,
          %add3A_271 = arith.constant 48 : i32
          %add3A_272 = vector.broadcast %add3A_271 : i32 to vector<16xi32>
          %add3A_273 = arith.addi %iota3A, %add3A_272 : vector<16xi32>
          %gather3A_274 = arith.constant 0 : i32
          %gather3A_275 = arith.constant 0 : i32
          %gather3A_276 = tpu.memref_slice %arg7[%and3A_184, %gather3A_274, %gather3A_275] : memref<4x64x256xf32, #tpu.memory_space<vmem>> -> memref<1x64x256xf32, #tpu.memory_space<vmem>>
          %gather3A_277 = tpu.memref_squeeze %gather3A_276 : memref<1x64x256xf32, #tpu.memory_space<vmem>> -> memref<64x256xf32, #tpu.memory_space<vmem>>
          %gather3A_278 = tpu.vector_load_idx %gather3A_277[%add3A_273, %broadcast_in_dim3A_233] : memref<64x256xf32, #tpu.memory_space<vmem>>[vector<16xi32>, vector<16xi32>], vector<16xf32>,
          %swap3A_279 = arith.index_cast %and3A_235 : i32 to index
          %swap3A_280 = arith.constant 48 : index
          %swap3A_281 = tpu.vector_load %arg9[%swap3A_279, %swap3A_280] {strides = array<i32>} : memref<64x64xf32, #tpu.memory_space<vmem>>, vector<16xf32>,
          tpu.vector_store %arg9[%swap3A_279, %swap3A_280], %gather3A_278 {strides = array<i32>} : memref<64x64xf32, #tpu.memory_space<vmem>>, vector<16xf32>,
          %dma_start3A_282 = arith.constant 0 : i32
          %dma_start3A_283 = tpu.memref_slice %arg9[%and3A_235, %dma_start3A_282] : memref<64x64xf32, #tpu.memory_space<vmem>> -> memref<1x64xf32, #tpu.memory_space<vmem>>
          %dma_start3A_284 = arith.constant 0 : i32
          %dma_start3A_285 = tpu.memref_slice %arg4[%and3A_232, %dma_start3A_284] : memref<16384x64xf32, #tpu.memory_space<hbm>> -> memref<1x64xf32, #tpu.memory_space<hbm>>
          %dma_start3A_286 = arith.constant 0 : i32
          %dma_start3A_287 = tpu.memref_slice %arg4[%and3A_232, %dma_start3A_286] : memref<16384x64xf32, #tpu.memory_space<hbm>> -> memref<1x64xf32, #tpu.memory_space<hbm>>
          %dma_start3A_288 = arith.constant 0 : i32
          %dma_start3A_289 = tpu.memref_slice %arg9[%and3A_235, %dma_start3A_288] : memref<64x64xf32, #tpu.memory_space<vmem>> -> memref<1x64xf32, #tpu.memory_space<vmem>>
          tpu.enqueue_dma source(%dma_start3A_289 : memref<1x64xf32, #tpu.memory_space<vmem>>) target(%dma_start3A_287 : memref<1x64xf32, #tpu.memory_space<hbm>>) target_semaphore(%arg12 : memref<!tpu.dma_semaphore, #tpu.memory_space<semaphore_mem>>)
          %ne3A_290 = arith.cmpi ne, %iota3A, %all_reduce_ffs3A : vector<16xi32>
          %and3A_291 = arith.andi %while3A_218, %ne3A_290 : vector<16xi1>
          %add3A_292 = arith.constant 1 : i32
          %add3A_293 = arith.addi %while3A_219, %add3A_292 : i32
          scf.yield %and3A_291, %add3A_293 : vector<16xi1>, i32
        }
        scf.yield %while3A_217#1 : i32
      }
      scf.yield %while3A_205 : i32
    }
    %while3A_124 = arith.constant 1 : i32
    %while3A_125 = scf.for %while3A_150 = %while3A_121 to %while3A_117 step %while3A_124 iter_args(%while3A_151 = %while3A_123) -> (i32)  : i32 {
      %mul3A_152 = arith.muli %while3A_150, %while3A : i32
      %add3A_153 = arith.addi %while3A_113, %mul3A_152 : i32
      %add3A_154 = arith.constant 3 : i32
      %add3A_155 = arith.addi %add3A_153, %add3A_154 : i32
      %lt3A_156 = arith.cmpi slt, %add3A_155, %add3A_43 : i32
      %convert_element_type3A_157 = arith.extui %lt3A_156 : i1 to i32
      %cond3A_158 = arith.constant 0 : i32
      %cond3A_159 = arith.cmpi ne, %convert_element_type3A_157, %cond3A_158 : i32
      scf.if %cond3A_159 {
        %add3A_206 = arith.constant 3 : i32
        %add3A_207 = arith.addi %add3A_153, %add3A_206 : i32
        %mul3A_208 = arith.constant 32 : i32
        %mul3A_209 = arith.muli %mul3A_208, %add3A_207 : i32
        %add3A_210 = arith.addi %add3A, %mul3A_209 : i32
        %mul3A_211 = arith.constant 256 : i32
        %mul3A_212 = arith.muli %add3A_210, %mul3A_211 : i32
        %multiple_of3A_213 = tpu.assume_multiple %mul3A_212, 128 : i32
        %and3A_214 = arith.constant 3 : i32
        %and3A_215 = arith.andi %add3A_207, %and3A_214 : i32
        %and3A_216 = arith.constant 3 : i32
        %and3A_217 = arith.andi %add3A_207, %and3A_216 : i32
        %dma_start3A_218 = arith.constant 0 : i32
        %dma_start3A_219 = arith.constant 0 : i32
        %dma_start3A_220 = tpu.memref_slice %arg7[%and3A_215, %dma_start3A_218, %dma_start3A_219] : memref<4x64x256xf32, #tpu.memory_space<vmem>> -> memref<1x64x256xf32, #tpu.memory_space<vmem>>
        %dma_start3A_221 = tpu.memref_squeeze %dma_start3A_220 : memref<1x64x256xf32, #tpu.memory_space<vmem>> -> memref<64x256xf32, #tpu.memory_space<vmem>>
        %dma_start3A_222 = arith.constant 0 : i32
        %dma_start3A_223 = tpu.memref_slice %arg2[%dma_start3A_222, %multiple_of3A_213] : memref<64x1000001xf32, #tpu.memory_space<hbm>> -> memref<64x256xf32, #tpu.memory_space<hbm>>
        %dma_start3A_224 = tpu.memref_slice %arg11[%and3A_217] : memref<4x!tpu.dma_semaphore, #tpu.memory_space<semaphore_mem>> -> memref<1x!tpu.dma_semaphore, #tpu.memory_space<semaphore_mem>>
        %dma_start3A_225 = tpu.memref_squeeze %dma_start3A_224 : memref<1x!tpu.dma_semaphore, #tpu.memory_space<semaphore_mem>> -> memref<!tpu.dma_semaphore, #tpu.memory_space<semaphore_mem>>
        %dma_start3A_226 = arith.constant 0 : i32
        %dma_start3A_227 = arith.constant 0 : i32
        %dma_start3A_228 = tpu.memref_slice %arg7[%and3A_215, %dma_start3A_226, %dma_start3A_227] : memref<4x64x256xf32, #tpu.memory_space<vmem>> -> memref<1x64x256xf32, #tpu.memory_space<vmem>>
        %dma_start3A_229 = tpu.memref_squeeze %dma_start3A_228 : memref<1x64x256xf32, #tpu.memory_space<vmem>> -> memref<64x256xf32, #tpu.memory_space<vmem>>
        %dma_start3A_230 = arith.constant 0 : i32
        %dma_start3A_231 = tpu.memref_slice %arg2[%dma_start3A_230, %multiple_of3A_213] : memref<64x1000001xf32, #tpu.memory_space<hbm>> -> memref<64x256xf32, #tpu.memory_space<hbm>>
        tpu.enqueue_dma source(%dma_start3A_231 : memref<64x256xf32, #tpu.memory_space<hbm>>) target(%dma_start3A_229 : memref<64x256xf32, #tpu.memory_space<vmem>>) target_semaphore(%dma_start3A_225 : memref<!tpu.dma_semaphore, #tpu.memory_space<semaphore_mem>>)
      } else {
      }
      %mul3A_160 = arith.constant 32 : i32
      %mul3A_161 = arith.muli %mul3A_160, %add3A_153 : i32
      %add3A_162 = arith.addi %add3A, %mul3A_161 : i32
      %mul3A_163 = arith.constant 256 : i32
      %mul3A_164 = arith.muli %add3A_162, %mul3A_163 : i32
      %multiple_of3A_165 = tpu.assume_multiple %mul3A_164, 128 : i32
      %and3A_166 = arith.constant 3 : i32
      %and3A_167 = arith.andi %add3A_153, %and3A_166 : i32
      %and3A_168 = arith.constant 3 : i32
      %and3A_169 = arith.andi %add3A_153, %and3A_168 : i32
      %dma_wait3A = arith.constant 0 : i32
      %dma_wait3A_170 = arith.constant 0 : i32
      %dma_wait3A_171 = tpu.memref_slice %arg7[%and3A_167, %dma_wait3A, %dma_wait3A_170] : memref<4x64x256xf32, #tpu.memory_space<vmem>> -> memref<1x64x256xf32, #tpu.memory_space<vmem>>
      %dma_wait3A_172 = tpu.memref_squeeze %dma_wait3A_171 : memref<1x64x256xf32, #tpu.memory_space<vmem>> -> memref<64x256xf32, #tpu.memory_space<vmem>>
      %dma_wait3A_173 = arith.constant 0 : i32
      %dma_wait3A_174 = tpu.memref_slice %arg2[%dma_wait3A_173, %multiple_of3A_165] : memref<64x1000001xf32, #tpu.memory_space<hbm>> -> memref<64x256xf32, #tpu.memory_space<hbm>>
      %dma_wait3A_175 = tpu.memref_slice %arg11[%and3A_169] : memref<4x!tpu.dma_semaphore, #tpu.memory_space<semaphore_mem>> -> memref<1x!tpu.dma_semaphore, #tpu.memory_space<semaphore_mem>>
      %dma_wait3A_176 = tpu.memref_squeeze %dma_wait3A_175 : memref<1x!tpu.dma_semaphore, #tpu.memory_space<semaphore_mem>> -> memref<!tpu.dma_semaphore, #tpu.memory_space<semaphore_mem>>
      %dma_wait3A_177 = arith.constant 0 : i32
      %dma_wait3A_178 = arith.constant 0 : i32
      %dma_wait3A_179 = tpu.memref_slice %arg7[%and3A_167, %dma_wait3A_177, %dma_wait3A_178] : memref<4x64x256xf32, #tpu.memory_space<vmem>> -> memref<1x64x256xf32, #tpu.memory_space<vmem>>
      %dma_wait3A_180 = tpu.memref_squeeze %dma_wait3A_179 : memref<1x64x256xf32, #tpu.memory_space<vmem>> -> memref<64x256xf32, #tpu.memory_space<vmem>>
      %dma_wait3A_181 = arith.constant 0 : i32
      %dma_wait3A_182 = tpu.memref_slice %arg2[%dma_wait3A_181, %multiple_of3A_165] : memref<64x1000001xf32, #tpu.memory_space<hbm>> -> memref<64x256xf32, #tpu.memory_space<hbm>>
      tpu.wait_dma2 semaphore(%dma_wait3A_176 : memref<!tpu.dma_semaphore, #tpu.memory_space<semaphore_mem>>) src(%dma_wait3A_182 : memref<64x256xf32, #tpu.memory_space<hbm>>) dst(%dma_wait3A_180 : memref<64x256xf32, #tpu.memory_space<vmem>>)
      %and3A_183 = arith.constant 3 : i32
      %and3A_184 = arith.andi %add3A_153, %and3A_183 : i32
      %sub3A_185 = arith.constant 0 : i32
      %sub3A_186 = arith.subi %select_n3A, %sub3A_185 : i32
      %sub3A_187 = arith.constant 1 : i32
      %sub3A_188 = arith.constant 1 : i32
      %sub3A_189 = arith.subi %sub3A_187, %sub3A_188 : i32
      %add3A_190 = arith.addi %sub3A_186, %sub3A_189 : i32
      %div3A_191 = arith.constant 1 : i32
      %div3A_192 = arith.divsi %add3A_190, %div3A_191 : i32
      %while3A_193 = arith.constant 1 : i32
      %while3A_194 = arith.constant 0 : i32
      %while3A_195 = arith.constant 0 : i32
      %while3A_196 = arith.subi %div3A_192, %while3A_195 : i32
      %while3A_197 = arith.addi %while3A_195, %while3A_196 : i32
      %while3A_198 = arith.constant 1 : i32
      %while3A_199 = arith.divsi %while3A_196, %while3A_198 : i32
      %while3A_200 = arith.muli %while3A_199, %while3A_198 : i32
      %while3A_201 = arith.addi %while3A_195, %while3A_200 : i32
      %while3A_202 = arith.constant 1 : i32
      %while3A_203 = scf.for %while3A_206 = %while3A_195 to %while3A_201 step %while3A_202 iter_args(%while3A_207 = %while3A_151) -> (i32)  : i32 {
        %mul3A_208 = arith.muli %while3A_206, %while3A_193 : i32
        %add3A_209 = arith.addi %while3A_194, %mul3A_208 : i32
        %mul3A_210 = arith.constant 16 : i32
        %mul3A_211 = arith.muli %add3A_209, %mul3A_210 : i32
        %get3A = arith.index_cast %mul3A_211 : i32 to index
        %get3A_212 = tpu.vector_load %arg6[%get3A] {strides = array<i32>} : memref<16400xi32, #tpu.memory_space<vmem>>, vector<16xi32>,
        %shift_right_arithmetic3A = arith.constant 22 : i32
        %shift_right_arithmetic3A_213 = vector.broadcast %shift_right_arithmetic3A : i32 to vector<16xi32>
        %shift_right_arithmetic3A_214 = arith.shrsi %get3A_212, %shift_right_arithmetic3A_213 : vector<16xi32>
        %eq3A_215 = vector.broadcast %add3A_153 : i32 to vector<16xi32>
        %eq3A_216 = arith.cmpi eq, %shift_right_arithmetic3A_214, %eq3A_215 : vector<16xi32>
        %while3A_217:2 = scf.while (%while3A_218 = %eq3A_216, %while3A_219 = %while3A_207) : (vector<16xi1>, i32) -> (vector<16xi1>, i32) {
          %reduce_or3A = arith.constant 1.000000e+00 : f32
          %reduce_or3A_220 = arith.constant 0.000000e+00 : f32
          %reduce_or3A_221 = vector.broadcast %reduce_or3A : f32 to vector<16xf32>
          %reduce_or3A_222 = vector.broadcast %reduce_or3A_220 : f32 to vector<16xf32>
          %reduce_or3A_223 = arith.select %while3A_218, %reduce_or3A_221, %reduce_or3A_222 : vector<16xi1>, vector<16xf32>
          %reduce_or3A_224 = arith.constant true
          %reduce_or3A_225 = vector.broadcast %reduce_or3A_224 : i1 to vector<16xi1>
          %reduce_or3A_226 = tpu.scan <max>, %reduce_or3A_223 masked %reduce_or3A_225 : vector<16xf32>, vector<16xi1> -> vector<16xf32>
          %reduce_or3A_227 = vector.extract %reduce_or3A_226[15] : f32 from vector<16xf32>
          %reduce_or3A_228 = arith.constant 0.000000e+00 : f32
          %reduce_or3A_229 = arith.cmpf ogt, %reduce_or3A_227, %reduce_or3A_228 : f32
          scf.condition(%reduce_or3A_229) %while3A_218, %while3A_219 : vector<16xi1>, i32
        } do {
        ^bb0(%while3A_218: vector<16xi1>, %while3A_219: i32):
          %all_reduce_ffs3A = tpu.all_reduce %while3A_218 {dim = 0 : i64, kind = #tpu.reduction_kind<find_first_set>} : vector<16xi1> -> vector<16xi32>
          %eq3A_220 = arith.cmpi eq, %iota3A, %all_reduce_ffs3A : vector<16xi32>
          %jit3A_221 = arith.constant 0 : i32
          %broadcast_in_dim3A_222 = vector.broadcast %jit3A_221 : i32 to vector<16xi32>
          %select_n3A_223 = arith.select %eq3A_220, %get3A_212, %broadcast_in_dim3A_222 : vector<16xi1>, vector<16xi32>
          %reduce_sum3A = arith.constant true
          %reduce_sum3A_224 = vector.broadcast %reduce_sum3A : i1 to vector<16xi1>
          %reduce_sum3A_225 = tpu.scan <sum>, %select_n3A_223 masked %reduce_sum3A_224 : vector<16xi32>, vector<16xi1> -> vector<16xi32>
          %reduce_sum3A_226 = vector.extract %reduce_sum3A_225[15] : i32 from vector<16xi32>
          %shift_right_arithmetic3A_227 = arith.constant 14 : i32
          %shift_right_arithmetic3A_228 = arith.shrsi %reduce_sum3A_226, %shift_right_arithmetic3A_227 : i32
          %and3A_229 = arith.constant 255 : i32
          %and3A_230 = arith.andi %shift_right_arithmetic3A_228, %and3A_229 : i32
          %and3A_231 = arith.constant 16383 : i32
          %and3A_232 = arith.andi %reduce_sum3A_226, %and3A_231 : i32
          %broadcast_in_dim3A_233 = vector.broadcast %and3A_230 : i32 to vector<16xi32>
          %and3A_234 = arith.constant 63 : i32
          %and3A_235 = arith.andi %while3A_219, %and3A_234 : i32
          %ge3A = arith.constant 64 : i32
          %ge3A_236 = arith.cmpi sge, %while3A_219, %ge3A : i32
          %convert_element_type3A_237 = arith.extui %ge3A_236 : i1 to i32
          %cond3A_238 = arith.constant 0 : i32
          %cond3A_239 = arith.cmpi ne, %convert_element_type3A_237, %cond3A_238 : i32
          scf.if %cond3A_239 {
            %dma_wait3A_294 = arith.constant 0 : i32
            %dma_wait3A_295 = arith.constant 0 : i32
            %dma_wait3A_296 = tpu.memref_slice %arg9[%dma_wait3A_294, %dma_wait3A_295] : memref<64x64xf32, #tpu.memory_space<vmem>> -> memref<1x64xf32, #tpu.memory_space<vmem>>
            %dma_wait3A_297 = arith.constant 0 : i32
            %dma_wait3A_298 = arith.constant 0 : i32
            %dma_wait3A_299 = tpu.memref_slice %arg4[%dma_wait3A_297, %dma_wait3A_298] : memref<16384x64xf32, #tpu.memory_space<hbm>> -> memref<1x64xf32, #tpu.memory_space<hbm>>
            %dma_wait3A_300 = arith.constant 0 : i32
            %dma_wait3A_301 = arith.constant 0 : i32
            %dma_wait3A_302 = tpu.memref_slice %arg9[%dma_wait3A_300, %dma_wait3A_301] : memref<64x64xf32, #tpu.memory_space<vmem>> -> memref<1x64xf32, #tpu.memory_space<vmem>>
            %dma_wait3A_303 = arith.constant 0 : i32
            %dma_wait3A_304 = arith.constant 0 : i32
            %dma_wait3A_305 = tpu.memref_slice %arg4[%dma_wait3A_303, %dma_wait3A_304] : memref<16384x64xf32, #tpu.memory_space<hbm>> -> memref<1x64xf32, #tpu.memory_space<hbm>>
            tpu.wait_dma2 semaphore(%arg12 : memref<!tpu.dma_semaphore, #tpu.memory_space<semaphore_mem>>) src(%dma_wait3A_305 : memref<1x64xf32, #tpu.memory_space<hbm>>) dst(%dma_wait3A_302 : memref<1x64xf32, #tpu.memory_space<vmem>>)
          } else {
          }
          %add3A_240 = arith.constant 0 : i32
          %add3A_241 = vector.broadcast %add3A_240 : i32 to vector<16xi32>
          %add3A_242 = arith.addi %iota3A, %add3A_241 : vector<16xi32>
          %gather3A = arith.constant 0 : i32
          %gather3A_243 = arith.constant 0 : i32
          %gather3A_244 = tpu.memref_slice %arg7[%and3A_184, %gather3A, %gather3A_243] : memref<4x64x256xf32, #tpu.memory_space<vmem>> -> memref<1x64x256xf32, #tpu.memory_space<vmem>>
          %gather3A_245 = tpu.memref_squeeze %gather3A_244 : memref<1x64x256xf32, #tpu.memory_space<vmem>> -> memref<64x256xf32, #tpu.memory_space<vmem>>
          %gather3A_246 = tpu.vector_load_idx %gather3A_245[%add3A_242, %broadcast_in_dim3A_233] : memref<64x256xf32, #tpu.memory_space<vmem>>[vector<16xi32>, vector<16xi32>], vector<16xf32>,
          %swap3A = arith.index_cast %and3A_235 : i32 to index
          %swap3A_247 = arith.constant 0 : index
          %swap3A_248 = tpu.vector_load %arg9[%swap3A, %swap3A_247] {strides = array<i32>} : memref<64x64xf32, #tpu.memory_space<vmem>>, vector<16xf32>,
          tpu.vector_store %arg9[%swap3A, %swap3A_247], %gather3A_246 {strides = array<i32>} : memref<64x64xf32, #tpu.memory_space<vmem>>, vector<16xf32>,
          %add3A_249 = arith.constant 16 : i32
          %add3A_250 = vector.broadcast %add3A_249 : i32 to vector<16xi32>
          %add3A_251 = arith.addi %iota3A, %add3A_250 : vector<16xi32>
          %gather3A_252 = arith.constant 0 : i32
          %gather3A_253 = arith.constant 0 : i32
          %gather3A_254 = tpu.memref_slice %arg7[%and3A_184, %gather3A_252, %gather3A_253] : memref<4x64x256xf32, #tpu.memory_space<vmem>> -> memref<1x64x256xf32, #tpu.memory_space<vmem>>
          %gather3A_255 = tpu.memref_squeeze %gather3A_254 : memref<1x64x256xf32, #tpu.memory_space<vmem>> -> memref<64x256xf32, #tpu.memory_space<vmem>>
          %gather3A_256 = tpu.vector_load_idx %gather3A_255[%add3A_251, %broadcast_in_dim3A_233] : memref<64x256xf32, #tpu.memory_space<vmem>>[vector<16xi32>, vector<16xi32>], vector<16xf32>,
          %swap3A_257 = arith.index_cast %and3A_235 : i32 to index
          %swap3A_258 = arith.constant 16 : index
          %swap3A_259 = tpu.vector_load %arg9[%swap3A_257, %swap3A_258] {strides = array<i32>} : memref<64x64xf32, #tpu.memory_space<vmem>>, vector<16xf32>,
          tpu.vector_store %arg9[%swap3A_257, %swap3A_258], %gather3A_256 {strides = array<i32>} : memref<64x64xf32, #tpu.memory_space<vmem>>, vector<16xf32>,
          %add3A_260 = arith.constant 32 : i32
          %add3A_261 = vector.broadcast %add3A_260 : i32 to vector<16xi32>
          %add3A_262 = arith.addi %iota3A, %add3A_261 : vector<16xi32>
          %gather3A_263 = arith.constant 0 : i32
          %gather3A_264 = arith.constant 0 : i32
          %gather3A_265 = tpu.memref_slice %arg7[%and3A_184, %gather3A_263, %gather3A_264] : memref<4x64x256xf32, #tpu.memory_space<vmem>> -> memref<1x64x256xf32, #tpu.memory_space<vmem>>
          %gather3A_266 = tpu.memref_squeeze %gather3A_265 : memref<1x64x256xf32, #tpu.memory_space<vmem>> -> memref<64x256xf32, #tpu.memory_space<vmem>>
          %gather3A_267 = tpu.vector_load_idx %gather3A_266[%add3A_262, %broadcast_in_dim3A_233] : memref<64x256xf32, #tpu.memory_space<vmem>>[vector<16xi32>, vector<16xi32>], vector<16xf32>,
          %swap3A_268 = arith.index_cast %and3A_235 : i32 to index
          %swap3A_269 = arith.constant 32 : index
          %swap3A_270 = tpu.vector_load %arg9[%swap3A_268, %swap3A_269] {strides = array<i32>} : memref<64x64xf32, #tpu.memory_space<vmem>>, vector<16xf32>,
          tpu.vector_store %arg9[%swap3A_268, %swap3A_269], %gather3A_267 {strides = array<i32>} : memref<64x64xf32, #tpu.memory_space<vmem>>, vector<16xf32>,
          %add3A_271 = arith.constant 48 : i32
          %add3A_272 = vector.broadcast %add3A_271 : i32 to vector<16xi32>
          %add3A_273 = arith.addi %iota3A, %add3A_272 : vector<16xi32>
          %gather3A_274 = arith.constant 0 : i32
          %gather3A_275 = arith.constant 0 : i32
          %gather3A_276 = tpu.memref_slice %arg7[%and3A_184, %gather3A_274, %gather3A_275] : memref<4x64x256xf32, #tpu.memory_space<vmem>> -> memref<1x64x256xf32, #tpu.memory_space<vmem>>
          %gather3A_277 = tpu.memref_squeeze %gather3A_276 : memref<1x64x256xf32, #tpu.memory_space<vmem>> -> memref<64x256xf32, #tpu.memory_space<vmem>>
          %gather3A_278 = tpu.vector_load_idx %gather3A_277[%add3A_273, %broadcast_in_dim3A_233] : memref<64x256xf32, #tpu.memory_space<vmem>>[vector<16xi32>, vector<16xi32>], vector<16xf32>,
          %swap3A_279 = arith.index_cast %and3A_235 : i32 to index
          %swap3A_280 = arith.constant 48 : index
          %swap3A_281 = tpu.vector_load %arg9[%swap3A_279, %swap3A_280] {strides = array<i32>} : memref<64x64xf32, #tpu.memory_space<vmem>>, vector<16xf32>,
          tpu.vector_store %arg9[%swap3A_279, %swap3A_280], %gather3A_278 {strides = array<i32>} : memref<64x64xf32, #tpu.memory_space<vmem>>, vector<16xf32>,
          %dma_start3A_282 = arith.constant 0 : i32
          %dma_start3A_283 = tpu.memref_slice %arg9[%and3A_235, %dma_start3A_282] : memref<64x64xf32, #tpu.memory_space<vmem>> -> memref<1x64xf32, #tpu.memory_space<vmem>>
          %dma_start3A_284 = arith.constant 0 : i32
          %dma_start3A_285 = tpu.memref_slice %arg4[%and3A_232, %dma_start3A_284] : memref<16384x64xf32, #tpu.memory_space<hbm>> -> memref<1x64xf32, #tpu.memory_space<hbm>>
          %dma_start3A_286 = arith.constant 0 : i32
          %dma_start3A_287 = tpu.memref_slice %arg4[%and3A_232, %dma_start3A_286] : memref<16384x64xf32, #tpu.memory_space<hbm>> -> memref<1x64xf32, #tpu.memory_space<hbm>>
          %dma_start3A_288 = arith.constant 0 : i32
          %dma_start3A_289 = tpu.memref_slice %arg9[%and3A_235, %dma_start3A_288] : memref<64x64xf32, #tpu.memory_space<vmem>> -> memref<1x64xf32, #tpu.memory_space<vmem>>
          tpu.enqueue_dma source(%dma_start3A_289 : memref<1x64xf32, #tpu.memory_space<vmem>>) target(%dma_start3A_287 : memref<1x64xf32, #tpu.memory_space<hbm>>) target_semaphore(%arg12 : memref<!tpu.dma_semaphore, #tpu.memory_space<semaphore_mem>>)
          %ne3A_290 = arith.cmpi ne, %iota3A, %all_reduce_ffs3A : vector<16xi32>
          %and3A_291 = arith.andi %while3A_218, %ne3A_290 : vector<16xi1>
          %add3A_292 = arith.constant 1 : i32
          %add3A_293 = arith.addi %while3A_219, %add3A_292 : i32
          scf.yield %and3A_291, %add3A_293 : vector<16xi1>, i32
        }
        scf.yield %while3A_217#1 : i32
      }
      %while3A_204 = arith.constant 1 : i32
      %while3A_205 = scf.for %while3A_206 = %while3A_201 to %while3A_197 step %while3A_204 iter_args(%while3A_207 = %while3A_203) -> (i32)  : i32 {
        %mul3A_208 = arith.muli %while3A_206, %while3A_193 : i32
        %add3A_209 = arith.addi %while3A_194, %mul3A_208 : i32
        %mul3A_210 = arith.constant 16 : i32
        %mul3A_211 = arith.muli %add3A_209, %mul3A_210 : i32
        %get3A = arith.index_cast %mul3A_211 : i32 to index
        %get3A_212 = tpu.vector_load %arg6[%get3A] {strides = array<i32>} : memref<16400xi32, #tpu.memory_space<vmem>>, vector<16xi32>,
        %shift_right_arithmetic3A = arith.constant 22 : i32
        %shift_right_arithmetic3A_213 = vector.broadcast %shift_right_arithmetic3A : i32 to vector<16xi32>
        %shift_right_arithmetic3A_214 = arith.shrsi %get3A_212, %shift_right_arithmetic3A_213 : vector<16xi32>
        %eq3A_215 = vector.broadcast %add3A_153 : i32 to vector<16xi32>
        %eq3A_216 = arith.cmpi eq, %shift_right_arithmetic3A_214, %eq3A_215 : vector<16xi32>
        %while3A_217:2 = scf.while (%while3A_218 = %eq3A_216, %while3A_219 = %while3A_207) : (vector<16xi1>, i32) -> (vector<16xi1>, i32) {
          %reduce_or3A = arith.constant 1.000000e+00 : f32
          %reduce_or3A_220 = arith.constant 0.000000e+00 : f32
          %reduce_or3A_221 = vector.broadcast %reduce_or3A : f32 to vector<16xf32>
          %reduce_or3A_222 = vector.broadcast %reduce_or3A_220 : f32 to vector<16xf32>
          %reduce_or3A_223 = arith.select %while3A_218, %reduce_or3A_221, %reduce_or3A_222 : vector<16xi1>, vector<16xf32>
          %reduce_or3A_224 = arith.constant true
          %reduce_or3A_225 = vector.broadcast %reduce_or3A_224 : i1 to vector<16xi1>
          %reduce_or3A_226 = tpu.scan <max>, %reduce_or3A_223 masked %reduce_or3A_225 : vector<16xf32>, vector<16xi1> -> vector<16xf32>
          %reduce_or3A_227 = vector.extract %reduce_or3A_226[15] : f32 from vector<16xf32>
          %reduce_or3A_228 = arith.constant 0.000000e+00 : f32
          %reduce_or3A_229 = arith.cmpf ogt, %reduce_or3A_227, %reduce_or3A_228 : f32
          scf.condition(%reduce_or3A_229) %while3A_218, %while3A_219 : vector<16xi1>, i32
        } do {
        ^bb0(%while3A_218: vector<16xi1>, %while3A_219: i32):
          %all_reduce_ffs3A = tpu.all_reduce %while3A_218 {dim = 0 : i64, kind = #tpu.reduction_kind<find_first_set>} : vector<16xi1> -> vector<16xi32>
          %eq3A_220 = arith.cmpi eq, %iota3A, %all_reduce_ffs3A : vector<16xi32>
          %jit3A_221 = arith.constant 0 : i32
          %broadcast_in_dim3A_222 = vector.broadcast %jit3A_221 : i32 to vector<16xi32>
          %select_n3A_223 = arith.select %eq3A_220, %get3A_212, %broadcast_in_dim3A_222 : vector<16xi1>, vector<16xi32>
          %reduce_sum3A = arith.constant true
          %reduce_sum3A_224 = vector.broadcast %reduce_sum3A : i1 to vector<16xi1>
          %reduce_sum3A_225 = tpu.scan <sum>, %select_n3A_223 masked %reduce_sum3A_224 : vector<16xi32>, vector<16xi1> -> vector<16xi32>
          %reduce_sum3A_226 = vector.extract %reduce_sum3A_225[15] : i32 from vector<16xi32>
          %shift_right_arithmetic3A_227 = arith.constant 14 : i32
          %shift_right_arithmetic3A_228 = arith.shrsi %reduce_sum3A_226, %shift_right_arithmetic3A_227 : i32
          %and3A_229 = arith.constant 255 : i32
          %and3A_230 = arith.andi %shift_right_arithmetic3A_228, %and3A_229 : i32
          %and3A_231 = arith.constant 16383 : i32
          %and3A_232 = arith.andi %reduce_sum3A_226, %and3A_231 : i32
          %broadcast_in_dim3A_233 = vector.broadcast %and3A_230 : i32 to vector<16xi32>
          %and3A_234 = arith.constant 63 : i32
          %and3A_235 = arith.andi %while3A_219, %and3A_234 : i32
          %ge3A = arith.constant 64 : i32
          %ge3A_236 = arith.cmpi sge, %while3A_219, %ge3A : i32
          %convert_element_type3A_237 = arith.extui %ge3A_236 : i1 to i32
          %cond3A_238 = arith.constant 0 : i32
          %cond3A_239 = arith.cmpi ne, %convert_element_type3A_237, %cond3A_238 : i32
          scf.if %cond3A_239 {
            %dma_wait3A_294 = arith.constant 0 : i32
            %dma_wait3A_295 = arith.constant 0 : i32
            %dma_wait3A_296 = tpu.memref_slice %arg9[%dma_wait3A_294, %dma_wait3A_295] : memref<64x64xf32, #tpu.memory_space<vmem>> -> memref<1x64xf32, #tpu.memory_space<vmem>>
            %dma_wait3A_297 = arith.constant 0 : i32
            %dma_wait3A_298 = arith.constant 0 : i32
            %dma_wait3A_299 = tpu.memref_slice %arg4[%dma_wait3A_297, %dma_wait3A_298] : memref<16384x64xf32, #tpu.memory_space<hbm>> -> memref<1x64xf32, #tpu.memory_space<hbm>>
            %dma_wait3A_300 = arith.constant 0 : i32
            %dma_wait3A_301 = arith.constant 0 : i32
            %dma_wait3A_302 = tpu.memref_slice %arg9[%dma_wait3A_300, %dma_wait3A_301] : memref<64x64xf32, #tpu.memory_space<vmem>> -> memref<1x64xf32, #tpu.memory_space<vmem>>
            %dma_wait3A_303 = arith.constant 0 : i32
            %dma_wait3A_304 = arith.constant 0 : i32
            %dma_wait3A_305 = tpu.memref_slice %arg4[%dma_wait3A_303, %dma_wait3A_304] : memref<16384x64xf32, #tpu.memory_space<hbm>> -> memref<1x64xf32, #tpu.memory_space<hbm>>
            tpu.wait_dma2 semaphore(%arg12 : memref<!tpu.dma_semaphore, #tpu.memory_space<semaphore_mem>>) src(%dma_wait3A_305 : memref<1x64xf32, #tpu.memory_space<hbm>>) dst(%dma_wait3A_302 : memref<1x64xf32, #tpu.memory_space<vmem>>)
          } else {
          }
          %add3A_240 = arith.constant 0 : i32
          %add3A_241 = vector.broadcast %add3A_240 : i32 to vector<16xi32>
          %add3A_242 = arith.addi %iota3A, %add3A_241 : vector<16xi32>
          %gather3A = arith.constant 0 : i32
          %gather3A_243 = arith.constant 0 : i32
          %gather3A_244 = tpu.memref_slice %arg7[%and3A_184, %gather3A, %gather3A_243] : memref<4x64x256xf32, #tpu.memory_space<vmem>> -> memref<1x64x256xf32, #tpu.memory_space<vmem>>
          %gather3A_245 = tpu.memref_squeeze %gather3A_244 : memref<1x64x256xf32, #tpu.memory_space<vmem>> -> memref<64x256xf32, #tpu.memory_space<vmem>>
          %gather3A_246 = tpu.vector_load_idx %gather3A_245[%add3A_242, %broadcast_in_dim3A_233] : memref<64x256xf32, #tpu.memory_space<vmem>>[vector<16xi32>, vector<16xi32>], vector<16xf32>,
          %swap3A = arith.index_cast %and3A_235 : i32 to index
          %swap3A_247 = arith.constant 0 : index
          %swap3A_248 = tpu.vector_load %arg9[%swap3A, %swap3A_247] {strides = array<i32>} : memref<64x64xf32, #tpu.memory_space<vmem>>, vector<16xf32>,
          tpu.vector_store %arg9[%swap3A, %swap3A_247], %gather3A_246 {strides = array<i32>} : memref<64x64xf32, #tpu.memory_space<vmem>>, vector<16xf32>,
          %add3A_249 = arith.constant 16 : i32
          %add3A_250 = vector.broadcast %add3A_249 : i32 to vector<16xi32>
          %add3A_251 = arith.addi %iota3A, %add3A_250 : vector<16xi32>
          %gather3A_252 = arith.constant 0 : i32
          %gather3A_253 = arith.constant 0 : i32
          %gather3A_254 = tpu.memref_slice %arg7[%and3A_184, %gather3A_252, %gather3A_253] : memref<4x64x256xf32, #tpu.memory_space<vmem>> -> memref<1x64x256xf32, #tpu.memory_space<vmem>>
          %gather3A_255 = tpu.memref_squeeze %gather3A_254 : memref<1x64x256xf32, #tpu.memory_space<vmem>> -> memref<64x256xf32, #tpu.memory_space<vmem>>
          %gather3A_256 = tpu.vector_load_idx %gather3A_255[%add3A_251, %broadcast_in_dim3A_233] : memref<64x256xf32, #tpu.memory_space<vmem>>[vector<16xi32>, vector<16xi32>], vector<16xf32>,
          %swap3A_257 = arith.index_cast %and3A_235 : i32 to index
          %swap3A_258 = arith.constant 16 : index
          %swap3A_259 = tpu.vector_load %arg9[%swap3A_257, %swap3A_258] {strides = array<i32>} : memref<64x64xf32, #tpu.memory_space<vmem>>, vector<16xf32>,
          tpu.vector_store %arg9[%swap3A_257, %swap3A_258], %gather3A_256 {strides = array<i32>} : memref<64x64xf32, #tpu.memory_space<vmem>>, vector<16xf32>,
          %add3A_260 = arith.constant 32 : i32
          %add3A_261 = vector.broadcast %add3A_260 : i32 to vector<16xi32>
          %add3A_262 = arith.addi %iota3A, %add3A_261 : vector<16xi32>
          %gather3A_263 = arith.constant 0 : i32
          %gather3A_264 = arith.constant 0 : i32
          %gather3A_265 = tpu.memref_slice %arg7[%and3A_184, %gather3A_263, %gather3A_264] : memref<4x64x256xf32, #tpu.memory_space<vmem>> -> memref<1x64x256xf32, #tpu.memory_space<vmem>>
          %gather3A_266 = tpu.memref_squeeze %gather3A_265 : memref<1x64x256xf32, #tpu.memory_space<vmem>> -> memref<64x256xf32, #tpu.memory_space<vmem>>
          %gather3A_267 = tpu.vector_load_idx %gather3A_266[%add3A_262, %broadcast_in_dim3A_233] : memref<64x256xf32, #tpu.memory_space<vmem>>[vector<16xi32>, vector<16xi32>], vector<16xf32>,
          %swap3A_268 = arith.index_cast %and3A_235 : i32 to index
          %swap3A_269 = arith.constant 32 : index
          %swap3A_270 = tpu.vector_load %arg9[%swap3A_268, %swap3A_269] {strides = array<i32>} : memref<64x64xf32, #tpu.memory_space<vmem>>, vector<16xf32>,
          tpu.vector_store %arg9[%swap3A_268, %swap3A_269], %gather3A_267 {strides = array<i32>} : memref<64x64xf32, #tpu.memory_space<vmem>>, vector<16xf32>,
          %add3A_271 = arith.constant 48 : i32
          %add3A_272 = vector.broadcast %add3A_271 : i32 to vector<16xi32>
          %add3A_273 = arith.addi %iota3A, %add3A_272 : vector<16xi32>
          %gather3A_274 = arith.constant 0 : i32
          %gather3A_275 = arith.constant 0 : i32
          %gather3A_276 = tpu.memref_slice %arg7[%and3A_184, %gather3A_274, %gather3A_275] : memref<4x64x256xf32, #tpu.memory_space<vmem>> -> memref<1x64x256xf32, #tpu.memory_space<vmem>>
          %gather3A_277 = tpu.memref_squeeze %gather3A_276 : memref<1x64x256xf32, #tpu.memory_space<vmem>> -> memref<64x256xf32, #tpu.memory_space<vmem>>
          %gather3A_278 = tpu.vector_load_idx %gather3A_277[%add3A_273, %broadcast_in_dim3A_233] : memref<64x256xf32, #tpu.memory_space<vmem>>[vector<16xi32>, vector<16xi32>], vector<16xf32>,
          %swap3A_279 = arith.index_cast %and3A_235 : i32 to index
          %swap3A_280 = arith.constant 48 : index
          %swap3A_281 = tpu.vector_load %arg9[%swap3A_279, %swap3A_280] {strides = array<i32>} : memref<64x64xf32, #tpu.memory_space<vmem>>, vector<16xf32>,
          tpu.vector_store %arg9[%swap3A_279, %swap3A_280], %gather3A_278 {strides = array<i32>} : memref<64x64xf32, #tpu.memory_space<vmem>>, vector<16xf32>,
          %dma_start3A_282 = arith.constant 0 : i32
          %dma_start3A_283 = tpu.memref_slice %arg9[%and3A_235, %dma_start3A_282] : memref<64x64xf32, #tpu.memory_space<vmem>> -> memref<1x64xf32, #tpu.memory_space<vmem>>
          %dma_start3A_284 = arith.constant 0 : i32
          %dma_start3A_285 = tpu.memref_slice %arg4[%and3A_232, %dma_start3A_284] : memref<16384x64xf32, #tpu.memory_space<hbm>> -> memref<1x64xf32, #tpu.memory_space<hbm>>
          %dma_start3A_286 = arith.constant 0 : i32
          %dma_start3A_287 = tpu.memref_slice %arg4[%and3A_232, %dma_start3A_286] : memref<16384x64xf32, #tpu.memory_space<hbm>> -> memref<1x64xf32, #tpu.memory_space<hbm>>
          %dma_start3A_288 = arith.constant 0 : i32
          %dma_start3A_289 = tpu.memref_slice %arg9[%and3A_235, %dma_start3A_288] : memref<64x64xf32, #tpu.memory_space<vmem>> -> memref<1x64xf32, #tpu.memory_space<vmem>>
          tpu.enqueue_dma source(%dma_start3A_289 : memref<1x64xf32, #tpu.memory_space<vmem>>) target(%dma_start3A_287 : memref<1x64xf32, #tpu.memory_space<hbm>>) target_semaphore(%arg12 : memref<!tpu.dma_semaphore, #tpu.memory_space<semaphore_mem>>)
          %ne3A_290 = arith.cmpi ne, %iota3A, %all_reduce_ffs3A : vector<16xi32>
          %and3A_291 = arith.andi %while3A_218, %ne3A_290 : vector<16xi1>
          %add3A_292 = arith.constant 1 : i32
          %add3A_293 = arith.addi %while3A_219, %add3A_292 : i32
          scf.yield %and3A_291, %add3A_293 : vector<16xi1>, i32
        }
        scf.yield %while3A_217#1 : i32
      }
      scf.yield %while3A_205 : i32
    }
    %eq3A_126 = arith.constant 2 : i32
    %eq3A_127 = arith.cmpi eq, %add3A, %eq3A_126 : i32
    %convert_element_type3A = arith.extui %eq3A_127 : i1 to i32
    %cond3A = arith.constant 0 : i32
    %cond3A_128 = arith.cmpi ne, %convert_element_type3A, %cond3A : i32
    %cond3A_129 = scf.if %cond3A_128 -> (i32) {
      "tpu.region"() ({
        %run_scoped3A = tpu.sem_alloc : memref<!tpu.dma_semaphore, #tpu.memory_space<semaphore_mem>>
        %dma_start3A_171 = arith.constant 0 : i32
        %dma_start3A_172 = arith.constant 999936 : i32
        %dma_start3A_173 = tpu.memref_slice %arg2[%dma_start3A_171, %dma_start3A_172] : memref<64x1000001xf32, #tpu.memory_space<hbm>> -> memref<64x65xf32, #tpu.memory_space<hbm>>
        %dma_start3A_174 = arith.constant 0 : i32
        %dma_start3A_175 = arith.constant 999936 : i32
        %dma_start3A_176 = tpu.memref_slice %arg2[%dma_start3A_174, %dma_start3A_175] : memref<64x1000001xf32, #tpu.memory_space<hbm>> -> memref<64x65xf32, #tpu.memory_space<hbm>>
        tpu.enqueue_dma source(%dma_start3A_176 : memref<64x65xf32, #tpu.memory_space<hbm>>) target(%arg8 : memref<64x65xf32, #tpu.memory_space<vmem>>) target_semaphore(%run_scoped3A : memref<!tpu.dma_semaphore, #tpu.memory_space<semaphore_mem>>)
        %dma_wait3A = arith.constant 0 : i32
        %dma_wait3A_177 = arith.constant 999936 : i32
        %dma_wait3A_178 = tpu.memref_slice %arg2[%dma_wait3A, %dma_wait3A_177] : memref<64x1000001xf32, #tpu.memory_space<hbm>> -> memref<64x65xf32, #tpu.memory_space<hbm>>
        %dma_wait3A_179 = arith.constant 0 : i32
        %dma_wait3A_180 = arith.constant 999936 : i32
        %dma_wait3A_181 = tpu.memref_slice %arg2[%dma_wait3A_179, %dma_wait3A_180] : memref<64x1000001xf32, #tpu.memory_space<hbm>> -> memref<64x65xf32, #tpu.memory_space<hbm>>
        tpu.wait_dma2 semaphore(%run_scoped3A : memref<!tpu.dma_semaphore, #tpu.memory_space<semaphore_mem>>) src(%dma_wait3A_181 : memref<64x65xf32, #tpu.memory_space<hbm>>) dst(%arg8 : memref<64x65xf32, #tpu.memory_space<vmem>>)
        tpu.yield
      }) : () -> ()
      %sub3A_150 = arith.constant 0 : i32
      %sub3A_151 = arith.subi %select_n3A, %sub3A_150 : i32
      %sub3A_152 = arith.constant 1 : i32
      %sub3A_153 = arith.constant 1 : i32
      %sub3A_154 = arith.subi %sub3A_152, %sub3A_153 : i32
      %add3A_155 = arith.addi %sub3A_151, %sub3A_154 : i32
      %div3A_156 = arith.constant 1 : i32
      %div3A_157 = arith.divsi %add3A_155, %div3A_156 : i32
      %while3A_158 = arith.constant 1 : i32
      %while3A_159 = arith.constant 0 : i32
      %while3A_160 = arith.constant 0 : i32
      %while3A_161 = arith.subi %div3A_157, %while3A_160 : i32
      %while3A_162 = arith.addi %while3A_160, %while3A_161 : i32
      %while3A_163 = arith.constant 1 : i32
      %while3A_164 = arith.divsi %while3A_161, %while3A_163 : i32
      %while3A_165 = arith.muli %while3A_164, %while3A_163 : i32
      %while3A_166 = arith.addi %while3A_160, %while3A_165 : i32
      %while3A_167 = arith.constant 1 : i32
      %while3A_168 = scf.for %while3A_171 = %while3A_160 to %while3A_166 step %while3A_167 iter_args(%while3A_172 = %while3A_125) -> (i32)  : i32 {
        %mul3A_173 = arith.muli %while3A_171, %while3A_158 : i32
        %add3A_174 = arith.addi %while3A_159, %mul3A_173 : i32
        %mul3A_175 = arith.constant 16 : i32
        %mul3A_176 = arith.muli %add3A_174, %mul3A_175 : i32
        %get3A = arith.index_cast %mul3A_176 : i32 to index
        %get3A_177 = tpu.vector_load %arg6[%get3A] {strides = array<i32>} : memref<16400xi32, #tpu.memory_space<vmem>>, vector<16xi32>,
        %shift_right_arithmetic3A = arith.constant 22 : i32
        %shift_right_arithmetic3A_178 = vector.broadcast %shift_right_arithmetic3A : i32 to vector<16xi32>
        %shift_right_arithmetic3A_179 = arith.shrsi %get3A_177, %shift_right_arithmetic3A_178 : vector<16xi32>
        %eq3A_180 = arith.constant 122 : i32
        %eq3A_181 = vector.broadcast %eq3A_180 : i32 to vector<16xi32>
        %eq3A_182 = arith.cmpi eq, %shift_right_arithmetic3A_179, %eq3A_181 : vector<16xi32>
        %while3A_183:2 = scf.while (%while3A_184 = %eq3A_182, %while3A_185 = %while3A_172) : (vector<16xi1>, i32) -> (vector<16xi1>, i32) {
          %reduce_or3A = arith.constant 1.000000e+00 : f32
          %reduce_or3A_186 = arith.constant 0.000000e+00 : f32
          %reduce_or3A_187 = vector.broadcast %reduce_or3A : f32 to vector<16xf32>
          %reduce_or3A_188 = vector.broadcast %reduce_or3A_186 : f32 to vector<16xf32>
          %reduce_or3A_189 = arith.select %while3A_184, %reduce_or3A_187, %reduce_or3A_188 : vector<16xi1>, vector<16xf32>
          %reduce_or3A_190 = arith.constant true
          %reduce_or3A_191 = vector.broadcast %reduce_or3A_190 : i1 to vector<16xi1>
          %reduce_or3A_192 = tpu.scan <max>, %reduce_or3A_189 masked %reduce_or3A_191 : vector<16xf32>, vector<16xi1> -> vector<16xf32>
          %reduce_or3A_193 = vector.extract %reduce_or3A_192[15] : f32 from vector<16xf32>
          %reduce_or3A_194 = arith.constant 0.000000e+00 : f32
          %reduce_or3A_195 = arith.cmpf ogt, %reduce_or3A_193, %reduce_or3A_194 : f32
          scf.condition(%reduce_or3A_195) %while3A_184, %while3A_185 : vector<16xi1>, i32
        } do {
        ^bb0(%while3A_184: vector<16xi1>, %while3A_185: i32):
          %all_reduce_ffs3A = tpu.all_reduce %while3A_184 {dim = 0 : i64, kind = #tpu.reduction_kind<find_first_set>} : vector<16xi1> -> vector<16xi32>
          %eq3A_186 = arith.cmpi eq, %iota3A, %all_reduce_ffs3A : vector<16xi32>
          %jit3A_187 = arith.constant 0 : i32
          %broadcast_in_dim3A_188 = vector.broadcast %jit3A_187 : i32 to vector<16xi32>
          %select_n3A_189 = arith.select %eq3A_186, %get3A_177, %broadcast_in_dim3A_188 : vector<16xi1>, vector<16xi32>
          %reduce_sum3A = arith.constant true
          %reduce_sum3A_190 = vector.broadcast %reduce_sum3A : i1 to vector<16xi1>
          %reduce_sum3A_191 = tpu.scan <sum>, %select_n3A_189 masked %reduce_sum3A_190 : vector<16xi32>, vector<16xi1> -> vector<16xi32>
          %reduce_sum3A_192 = vector.extract %reduce_sum3A_191[15] : i32 from vector<16xi32>
          %shift_right_arithmetic3A_193 = arith.constant 14 : i32
          %shift_right_arithmetic3A_194 = arith.shrsi %reduce_sum3A_192, %shift_right_arithmetic3A_193 : i32
          %and3A_195 = arith.constant 255 : i32
          %and3A_196 = arith.andi %shift_right_arithmetic3A_194, %and3A_195 : i32
          %and3A_197 = arith.constant 16383 : i32
          %and3A_198 = arith.andi %reduce_sum3A_192, %and3A_197 : i32
          %broadcast_in_dim3A_199 = vector.broadcast %and3A_196 : i32 to vector<16xi32>
          %and3A_200 = arith.constant 63 : i32
          %and3A_201 = arith.andi %while3A_185, %and3A_200 : i32
          %ge3A = arith.constant 64 : i32
          %ge3A_202 = arith.cmpi sge, %while3A_185, %ge3A : i32
          %convert_element_type3A_203 = arith.extui %ge3A_202 : i1 to i32
          %cond3A_204 = arith.constant 0 : i32
          %cond3A_205 = arith.cmpi ne, %convert_element_type3A_203, %cond3A_204 : i32
          scf.if %cond3A_205 {
            %dma_wait3A = arith.constant 0 : i32
            %dma_wait3A_244 = arith.constant 0 : i32
            %dma_wait3A_245 = tpu.memref_slice %arg9[%dma_wait3A, %dma_wait3A_244] : memref<64x64xf32, #tpu.memory_space<vmem>> -> memref<1x64xf32, #tpu.memory_space<vmem>>
            %dma_wait3A_246 = arith.constant 0 : i32
            %dma_wait3A_247 = arith.constant 0 : i32
            %dma_wait3A_248 = tpu.memref_slice %arg4[%dma_wait3A_246, %dma_wait3A_247] : memref<16384x64xf32, #tpu.memory_space<hbm>> -> memref<1x64xf32, #tpu.memory_space<hbm>>
            %dma_wait3A_249 = arith.constant 0 : i32
            %dma_wait3A_250 = arith.constant 0 : i32
            %dma_wait3A_251 = tpu.memref_slice %arg9[%dma_wait3A_249, %dma_wait3A_250] : memref<64x64xf32, #tpu.memory_space<vmem>> -> memref<1x64xf32, #tpu.memory_space<vmem>>
            %dma_wait3A_252 = arith.constant 0 : i32
            %dma_wait3A_253 = arith.constant 0 : i32
            %dma_wait3A_254 = tpu.memref_slice %arg4[%dma_wait3A_252, %dma_wait3A_253] : memref<16384x64xf32, #tpu.memory_space<hbm>> -> memref<1x64xf32, #tpu.memory_space<hbm>>
            tpu.wait_dma2 semaphore(%arg12 : memref<!tpu.dma_semaphore, #tpu.memory_space<semaphore_mem>>) src(%dma_wait3A_254 : memref<1x64xf32, #tpu.memory_space<hbm>>) dst(%dma_wait3A_251 : memref<1x64xf32, #tpu.memory_space<vmem>>)
          } else {
          }
          %add3A_206 = arith.constant 0 : i32
          %add3A_207 = vector.broadcast %add3A_206 : i32 to vector<16xi32>
          %add3A_208 = arith.addi %iota3A, %add3A_207 : vector<16xi32>
          %gather3A = tpu.vector_load_idx %arg8[%add3A_208, %broadcast_in_dim3A_199] : memref<64x65xf32, #tpu.memory_space<vmem>>[vector<16xi32>, vector<16xi32>], vector<16xf32>,
          %swap3A = arith.index_cast %and3A_201 : i32 to index
          %swap3A_209 = arith.constant 0 : index
          %swap3A_210 = tpu.vector_load %arg9[%swap3A, %swap3A_209] {strides = array<i32>} : memref<64x64xf32, #tpu.memory_space<vmem>>, vector<16xf32>,
          tpu.vector_store %arg9[%swap3A, %swap3A_209], %gather3A {strides = array<i32>} : memref<64x64xf32, #tpu.memory_space<vmem>>, vector<16xf32>,
          %add3A_211 = arith.constant 16 : i32
          %add3A_212 = vector.broadcast %add3A_211 : i32 to vector<16xi32>
          %add3A_213 = arith.addi %iota3A, %add3A_212 : vector<16xi32>
          %gather3A_214 = tpu.vector_load_idx %arg8[%add3A_213, %broadcast_in_dim3A_199] : memref<64x65xf32, #tpu.memory_space<vmem>>[vector<16xi32>, vector<16xi32>], vector<16xf32>,
          %swap3A_215 = arith.index_cast %and3A_201 : i32 to index
          %swap3A_216 = arith.constant 16 : index
          %swap3A_217 = tpu.vector_load %arg9[%swap3A_215, %swap3A_216] {strides = array<i32>} : memref<64x64xf32, #tpu.memory_space<vmem>>, vector<16xf32>,
          tpu.vector_store %arg9[%swap3A_215, %swap3A_216], %gather3A_214 {strides = array<i32>} : memref<64x64xf32, #tpu.memory_space<vmem>>, vector<16xf32>,
          %add3A_218 = arith.constant 32 : i32
          %add3A_219 = vector.broadcast %add3A_218 : i32 to vector<16xi32>
          %add3A_220 = arith.addi %iota3A, %add3A_219 : vector<16xi32>
          %gather3A_221 = tpu.vector_load_idx %arg8[%add3A_220, %broadcast_in_dim3A_199] : memref<64x65xf32, #tpu.memory_space<vmem>>[vector<16xi32>, vector<16xi32>], vector<16xf32>,
          %swap3A_222 = arith.index_cast %and3A_201 : i32 to index
          %swap3A_223 = arith.constant 32 : index
          %swap3A_224 = tpu.vector_load %arg9[%swap3A_222, %swap3A_223] {strides = array<i32>} : memref<64x64xf32, #tpu.memory_space<vmem>>, vector<16xf32>,
          tpu.vector_store %arg9[%swap3A_222, %swap3A_223], %gather3A_221 {strides = array<i32>} : memref<64x64xf32, #tpu.memory_space<vmem>>, vector<16xf32>,
          %add3A_225 = arith.constant 48 : i32
          %add3A_226 = vector.broadcast %add3A_225 : i32 to vector<16xi32>
          %add3A_227 = arith.addi %iota3A, %add3A_226 : vector<16xi32>
          %gather3A_228 = tpu.vector_load_idx %arg8[%add3A_227, %broadcast_in_dim3A_199] : memref<64x65xf32, #tpu.memory_space<vmem>>[vector<16xi32>, vector<16xi32>], vector<16xf32>,
          %swap3A_229 = arith.index_cast %and3A_201 : i32 to index
          %swap3A_230 = arith.constant 48 : index
          %swap3A_231 = tpu.vector_load %arg9[%swap3A_229, %swap3A_230] {strides = array<i32>} : memref<64x64xf32, #tpu.memory_space<vmem>>, vector<16xf32>,
          tpu.vector_store %arg9[%swap3A_229, %swap3A_230], %gather3A_228 {strides = array<i32>} : memref<64x64xf32, #tpu.memory_space<vmem>>, vector<16xf32>,
          %dma_start3A_232 = arith.constant 0 : i32
          %dma_start3A_233 = tpu.memref_slice %arg9[%and3A_201, %dma_start3A_232] : memref<64x64xf32, #tpu.memory_space<vmem>> -> memref<1x64xf32, #tpu.memory_space<vmem>>
          %dma_start3A_234 = arith.constant 0 : i32
          %dma_start3A_235 = tpu.memref_slice %arg4[%and3A_198, %dma_start3A_234] : memref<16384x64xf32, #tpu.memory_space<hbm>> -> memref<1x64xf32, #tpu.memory_space<hbm>>
          %dma_start3A_236 = arith.constant 0 : i32
          %dma_start3A_237 = tpu.memref_slice %arg4[%and3A_198, %dma_start3A_236] : memref<16384x64xf32, #tpu.memory_space<hbm>> -> memref<1x64xf32, #tpu.memory_space<hbm>>
          %dma_start3A_238 = arith.constant 0 : i32
          %dma_start3A_239 = tpu.memref_slice %arg9[%and3A_201, %dma_start3A_238] : memref<64x64xf32, #tpu.memory_space<vmem>> -> memref<1x64xf32, #tpu.memory_space<vmem>>
          tpu.enqueue_dma source(%dma_start3A_239 : memref<1x64xf32, #tpu.memory_space<vmem>>) target(%dma_start3A_237 : memref<1x64xf32, #tpu.memory_space<hbm>>) target_semaphore(%arg12 : memref<!tpu.dma_semaphore, #tpu.memory_space<semaphore_mem>>)
          %ne3A_240 = arith.cmpi ne, %iota3A, %all_reduce_ffs3A : vector<16xi32>
          %and3A_241 = arith.andi %while3A_184, %ne3A_240 : vector<16xi1>
          %add3A_242 = arith.constant 1 : i32
          %add3A_243 = arith.addi %while3A_185, %add3A_242 : i32
          scf.yield %and3A_241, %add3A_243 : vector<16xi1>, i32
        }
        scf.yield %while3A_183#1 : i32
      }
      %while3A_169 = arith.constant 1 : i32
      %while3A_170 = scf.for %while3A_171 = %while3A_166 to %while3A_162 step %while3A_169 iter_args(%while3A_172 = %while3A_168) -> (i32)  : i32 {
        %mul3A_173 = arith.muli %while3A_171, %while3A_158 : i32
        %add3A_174 = arith.addi %while3A_159, %mul3A_173 : i32
        %mul3A_175 = arith.constant 16 : i32
        %mul3A_176 = arith.muli %add3A_174, %mul3A_175 : i32
        %get3A = arith.index_cast %mul3A_176 : i32 to index
        %get3A_177 = tpu.vector_load %arg6[%get3A] {strides = array<i32>} : memref<16400xi32, #tpu.memory_space<vmem>>, vector<16xi32>,
        %shift_right_arithmetic3A = arith.constant 22 : i32
        %shift_right_arithmetic3A_178 = vector.broadcast %shift_right_arithmetic3A : i32 to vector<16xi32>
        %shift_right_arithmetic3A_179 = arith.shrsi %get3A_177, %shift_right_arithmetic3A_178 : vector<16xi32>
        %eq3A_180 = arith.constant 122 : i32
        %eq3A_181 = vector.broadcast %eq3A_180 : i32 to vector<16xi32>
        %eq3A_182 = arith.cmpi eq, %shift_right_arithmetic3A_179, %eq3A_181 : vector<16xi32>
        %while3A_183:2 = scf.while (%while3A_184 = %eq3A_182, %while3A_185 = %while3A_172) : (vector<16xi1>, i32) -> (vector<16xi1>, i32) {
          %reduce_or3A = arith.constant 1.000000e+00 : f32
          %reduce_or3A_186 = arith.constant 0.000000e+00 : f32
          %reduce_or3A_187 = vector.broadcast %reduce_or3A : f32 to vector<16xf32>
          %reduce_or3A_188 = vector.broadcast %reduce_or3A_186 : f32 to vector<16xf32>
          %reduce_or3A_189 = arith.select %while3A_184, %reduce_or3A_187, %reduce_or3A_188 : vector<16xi1>, vector<16xf32>
          %reduce_or3A_190 = arith.constant true
          %reduce_or3A_191 = vector.broadcast %reduce_or3A_190 : i1 to vector<16xi1>
          %reduce_or3A_192 = tpu.scan <max>, %reduce_or3A_189 masked %reduce_or3A_191 : vector<16xf32>, vector<16xi1> -> vector<16xf32>
          %reduce_or3A_193 = vector.extract %reduce_or3A_192[15] : f32 from vector<16xf32>
          %reduce_or3A_194 = arith.constant 0.000000e+00 : f32
          %reduce_or3A_195 = arith.cmpf ogt, %reduce_or3A_193, %reduce_or3A_194 : f32
          scf.condition(%reduce_or3A_195) %while3A_184, %while3A_185 : vector<16xi1>, i32
        } do {
        ^bb0(%while3A_184: vector<16xi1>, %while3A_185: i32):
          %all_reduce_ffs3A = tpu.all_reduce %while3A_184 {dim = 0 : i64, kind = #tpu.reduction_kind<find_first_set>} : vector<16xi1> -> vector<16xi32>
          %eq3A_186 = arith.cmpi eq, %iota3A, %all_reduce_ffs3A : vector<16xi32>
          %jit3A_187 = arith.constant 0 : i32
          %broadcast_in_dim3A_188 = vector.broadcast %jit3A_187 : i32 to vector<16xi32>
          %select_n3A_189 = arith.select %eq3A_186, %get3A_177, %broadcast_in_dim3A_188 : vector<16xi1>, vector<16xi32>
          %reduce_sum3A = arith.constant true
          %reduce_sum3A_190 = vector.broadcast %reduce_sum3A : i1 to vector<16xi1>
          %reduce_sum3A_191 = tpu.scan <sum>, %select_n3A_189 masked %reduce_sum3A_190 : vector<16xi32>, vector<16xi1> -> vector<16xi32>
          %reduce_sum3A_192 = vector.extract %reduce_sum3A_191[15] : i32 from vector<16xi32>
          %shift_right_arithmetic3A_193 = arith.constant 14 : i32
          %shift_right_arithmetic3A_194 = arith.shrsi %reduce_sum3A_192, %shift_right_arithmetic3A_193 : i32
          %and3A_195 = arith.constant 255 : i32
          %and3A_196 = arith.andi %shift_right_arithmetic3A_194, %and3A_195 : i32
          %and3A_197 = arith.constant 16383 : i32
          %and3A_198 = arith.andi %reduce_sum3A_192, %and3A_197 : i32
          %broadcast_in_dim3A_199 = vector.broadcast %and3A_196 : i32 to vector<16xi32>
          %and3A_200 = arith.constant 63 : i32
          %and3A_201 = arith.andi %while3A_185, %and3A_200 : i32
          %ge3A = arith.constant 64 : i32
          %ge3A_202 = arith.cmpi sge, %while3A_185, %ge3A : i32
          %convert_element_type3A_203 = arith.extui %ge3A_202 : i1 to i32
          %cond3A_204 = arith.constant 0 : i32
          %cond3A_205 = arith.cmpi ne, %convert_element_type3A_203, %cond3A_204 : i32
          scf.if %cond3A_205 {
            %dma_wait3A = arith.constant 0 : i32
            %dma_wait3A_244 = arith.constant 0 : i32
            %dma_wait3A_245 = tpu.memref_slice %arg9[%dma_wait3A, %dma_wait3A_244] : memref<64x64xf32, #tpu.memory_space<vmem>> -> memref<1x64xf32, #tpu.memory_space<vmem>>
            %dma_wait3A_246 = arith.constant 0 : i32
            %dma_wait3A_247 = arith.constant 0 : i32
            %dma_wait3A_248 = tpu.memref_slice %arg4[%dma_wait3A_246, %dma_wait3A_247] : memref<16384x64xf32, #tpu.memory_space<hbm>> -> memref<1x64xf32, #tpu.memory_space<hbm>>
            %dma_wait3A_249 = arith.constant 0 : i32
            %dma_wait3A_250 = arith.constant 0 : i32
            %dma_wait3A_251 = tpu.memref_slice %arg9[%dma_wait3A_249, %dma_wait3A_250] : memref<64x64xf32, #tpu.memory_space<vmem>> -> memref<1x64xf32, #tpu.memory_space<vmem>>
            %dma_wait3A_252 = arith.constant 0 : i32
            %dma_wait3A_253 = arith.constant 0 : i32
            %dma_wait3A_254 = tpu.memref_slice %arg4[%dma_wait3A_252, %dma_wait3A_253] : memref<16384x64xf32, #tpu.memory_space<hbm>> -> memref<1x64xf32, #tpu.memory_space<hbm>>
            tpu.wait_dma2 semaphore(%arg12 : memref<!tpu.dma_semaphore, #tpu.memory_space<semaphore_mem>>) src(%dma_wait3A_254 : memref<1x64xf32, #tpu.memory_space<hbm>>) dst(%dma_wait3A_251 : memref<1x64xf32, #tpu.memory_space<vmem>>)
          } else {
          }
          %add3A_206 = arith.constant 0 : i32
          %add3A_207 = vector.broadcast %add3A_206 : i32 to vector<16xi32>
          %add3A_208 = arith.addi %iota3A, %add3A_207 : vector<16xi32>
          %gather3A = tpu.vector_load_idx %arg8[%add3A_208, %broadcast_in_dim3A_199] : memref<64x65xf32, #tpu.memory_space<vmem>>[vector<16xi32>, vector<16xi32>], vector<16xf32>,
          %swap3A = arith.index_cast %and3A_201 : i32 to index
          %swap3A_209 = arith.constant 0 : index
          %swap3A_210 = tpu.vector_load %arg9[%swap3A, %swap3A_209] {strides = array<i32>} : memref<64x64xf32, #tpu.memory_space<vmem>>, vector<16xf32>,
          tpu.vector_store %arg9[%swap3A, %swap3A_209], %gather3A {strides = array<i32>} : memref<64x64xf32, #tpu.memory_space<vmem>>, vector<16xf32>,
          %add3A_211 = arith.constant 16 : i32
          %add3A_212 = vector.broadcast %add3A_211 : i32 to vector<16xi32>
          %add3A_213 = arith.addi %iota3A, %add3A_212 : vector<16xi32>
          %gather3A_214 = tpu.vector_load_idx %arg8[%add3A_213, %broadcast_in_dim3A_199] : memref<64x65xf32, #tpu.memory_space<vmem>>[vector<16xi32>, vector<16xi32>], vector<16xf32>,
          %swap3A_215 = arith.index_cast %and3A_201 : i32 to index
          %swap3A_216 = arith.constant 16 : index
          %swap3A_217 = tpu.vector_load %arg9[%swap3A_215, %swap3A_216] {strides = array<i32>} : memref<64x64xf32, #tpu.memory_space<vmem>>, vector<16xf32>,
          tpu.vector_store %arg9[%swap3A_215, %swap3A_216], %gather3A_214 {strides = array<i32>} : memref<64x64xf32, #tpu.memory_space<vmem>>, vector<16xf32>,
          %add3A_218 = arith.constant 32 : i32
          %add3A_219 = vector.broadcast %add3A_218 : i32 to vector<16xi32>
          %add3A_220 = arith.addi %iota3A, %add3A_219 : vector<16xi32>
          %gather3A_221 = tpu.vector_load_idx %arg8[%add3A_220, %broadcast_in_dim3A_199] : memref<64x65xf32, #tpu.memory_space<vmem>>[vector<16xi32>, vector<16xi32>], vector<16xf32>,
          %swap3A_222 = arith.index_cast %and3A_201 : i32 to index
          %swap3A_223 = arith.constant 32 : index
          %swap3A_224 = tpu.vector_load %arg9[%swap3A_222, %swap3A_223] {strides = array<i32>} : memref<64x64xf32, #tpu.memory_space<vmem>>, vector<16xf32>,
          tpu.vector_store %arg9[%swap3A_222, %swap3A_223], %gather3A_221 {strides = array<i32>} : memref<64x64xf32, #tpu.memory_space<vmem>>, vector<16xf32>,
          %add3A_225 = arith.constant 48 : i32
          %add3A_226 = vector.broadcast %add3A_225 : i32 to vector<16xi32>
          %add3A_227 = arith.addi %iota3A, %add3A_226 : vector<16xi32>
          %gather3A_228 = tpu.vector_load_idx %arg8[%add3A_227, %broadcast_in_dim3A_199] : memref<64x65xf32, #tpu.memory_space<vmem>>[vector<16xi32>, vector<16xi32>], vector<16xf32>,
          %swap3A_229 = arith.index_cast %and3A_201 : i32 to index
          %swap3A_230 = arith.constant 48 : index
          %swap3A_231 = tpu.vector_load %arg9[%swap3A_229, %swap3A_230] {strides = array<i32>} : memref<64x64xf32, #tpu.memory_space<vmem>>, vector<16xf32>,
          tpu.vector_store %arg9[%swap3A_229, %swap3A_230], %gather3A_228 {strides = array<i32>} : memref<64x64xf32, #tpu.memory_space<vmem>>, vector<16xf32>,
          %dma_start3A_232 = arith.constant 0 : i32
          %dma_start3A_233 = tpu.memref_slice %arg9[%and3A_201, %dma_start3A_232] : memref<64x64xf32, #tpu.memory_space<vmem>> -> memref<1x64xf32, #tpu.memory_space<vmem>>
          %dma_start3A_234 = arith.constant 0 : i32
          %dma_start3A_235 = tpu.memref_slice %arg4[%and3A_198, %dma_start3A_234] : memref<16384x64xf32, #tpu.memory_space<hbm>> -> memref<1x64xf32, #tpu.memory_space<hbm>>
          %dma_start3A_236 = arith.constant 0 : i32
          %dma_start3A_237 = tpu.memref_slice %arg4[%and3A_198, %dma_start3A_236] : memref<16384x64xf32, #tpu.memory_space<hbm>> -> memref<1x64xf32, #tpu.memory_space<hbm>>
          %dma_start3A_238 = arith.constant 0 : i32
          %dma_start3A_239 = tpu.memref_slice %arg9[%and3A_201, %dma_start3A_238] : memref<64x64xf32, #tpu.memory_space<vmem>> -> memref<1x64xf32, #tpu.memory_space<vmem>>
          tpu.enqueue_dma source(%dma_start3A_239 : memref<1x64xf32, #tpu.memory_space<vmem>>) target(%dma_start3A_237 : memref<1x64xf32, #tpu.memory_space<hbm>>) target_semaphore(%arg12 : memref<!tpu.dma_semaphore, #tpu.memory_space<semaphore_mem>>)
          %ne3A_240 = arith.cmpi ne, %iota3A, %all_reduce_ffs3A : vector<16xi32>
          %and3A_241 = arith.andi %while3A_184, %ne3A_240 : vector<16xi1>
          %add3A_242 = arith.constant 1 : i32
          %add3A_243 = arith.addi %while3A_185, %add3A_242 : i32
          scf.yield %and3A_241, %add3A_243 : vector<16xi1>, i32
        }
        scf.yield %while3A_183#1 : i32
      }
      scf.yield %while3A_170 : i32
    } else {
      scf.yield %while3A_125 : i32
    }
    %min3A = arith.constant 64 : i32
    %min3A_130 = arith.minsi %cond3A_129, %min3A : i32
    %sub3A_131 = arith.constant 0 : i32
    %sub3A_132 = arith.subi %min3A_130, %sub3A_131 : i32
    %sub3A_133 = arith.constant 1 : i32
    %sub3A_134 = arith.constant 1 : i32
    %sub3A_135 = arith.subi %sub3A_133, %sub3A_134 : i32
    %add3A_136 = arith.addi %sub3A_132, %sub3A_135 : i32
    %div3A_137 = arith.constant 1 : i32
    %div3A_138 = arith.divsi %add3A_136, %div3A_137 : i32
    %while3A_139 = arith.constant 1 : i32
    %while3A_140 = arith.constant 0 : i32
    %while3A_141 = arith.constant 0 : i32
    %while3A_142 = arith.subi %div3A_138, %while3A_141 : i32
    %while3A_143 = arith.addi %while3A_141, %while3A_142 : i32
    %while3A_144 = arith.constant 1 : i32
    %while3A_145 = arith.divsi %while3A_142, %while3A_144 : i32
    %while3A_146 = arith.muli %while3A_145, %while3A_144 : i32
    %while3A_147 = arith.addi %while3A_141, %while3A_146 : i32
    %while3A_148 = arith.constant 1 : i32
    scf.for %while3A_150 = %while3A_141 to %while3A_147 step %while3A_148  : i32 {
      %mul3A_151 = arith.muli %while3A_150, %while3A_139 : i32
      %add3A_152 = arith.addi %while3A_140, %mul3A_151 : i32
      %dma_wait3A = arith.constant 0 : i32
      %dma_wait3A_153 = arith.constant 0 : i32
      %dma_wait3A_154 = tpu.memref_slice %arg9[%dma_wait3A, %dma_wait3A_153] : memref<64x64xf32, #tpu.memory_space<vmem>> -> memref<1x64xf32, #tpu.memory_space<vmem>>
      %dma_wait3A_155 = arith.constant 0 : i32
      %dma_wait3A_156 = arith.constant 0 : i32
      %dma_wait3A_157 = tpu.memref_slice %arg4[%dma_wait3A_155, %dma_wait3A_156] : memref<16384x64xf32, #tpu.memory_space<hbm>> -> memref<1x64xf32, #tpu.memory_space<hbm>>
      %dma_wait3A_158 = arith.constant 0 : i32
      %dma_wait3A_159 = arith.constant 0 : i32
      %dma_wait3A_160 = tpu.memref_slice %arg9[%dma_wait3A_158, %dma_wait3A_159] : memref<64x64xf32, #tpu.memory_space<vmem>> -> memref<1x64xf32, #tpu.memory_space<vmem>>
      %dma_wait3A_161 = arith.constant 0 : i32
      %dma_wait3A_162 = arith.constant 0 : i32
      %dma_wait3A_163 = tpu.memref_slice %arg4[%dma_wait3A_161, %dma_wait3A_162] : memref<16384x64xf32, #tpu.memory_space<hbm>> -> memref<1x64xf32, #tpu.memory_space<hbm>>
      tpu.wait_dma2 semaphore(%arg12 : memref<!tpu.dma_semaphore, #tpu.memory_space<semaphore_mem>>) src(%dma_wait3A_163 : memref<1x64xf32, #tpu.memory_space<hbm>>) dst(%dma_wait3A_160 : memref<1x64xf32, #tpu.memory_space<vmem>>)
    }
    %while3A_149 = arith.constant 1 : i32
    scf.for %while3A_150 = %while3A_147 to %while3A_143 step %while3A_149  : i32 {
      %mul3A_151 = arith.muli %while3A_150, %while3A_139 : i32
      %add3A_152 = arith.addi %while3A_140, %mul3A_151 : i32
      %dma_wait3A = arith.constant 0 : i32
      %dma_wait3A_153 = arith.constant 0 : i32
      %dma_wait3A_154 = tpu.memref_slice %arg9[%dma_wait3A, %dma_wait3A_153] : memref<64x64xf32, #tpu.memory_space<vmem>> -> memref<1x64xf32, #tpu.memory_space<vmem>>
      %dma_wait3A_155 = arith.constant 0 : i32
      %dma_wait3A_156 = arith.constant 0 : i32
      %dma_wait3A_157 = tpu.memref_slice %arg4[%dma_wait3A_155, %dma_wait3A_156] : memref<16384x64xf32, #tpu.memory_space<hbm>> -> memref<1x64xf32, #tpu.memory_space<hbm>>
      %dma_wait3A_158 = arith.constant 0 : i32
      %dma_wait3A_159 = arith.constant 0 : i32
      %dma_wait3A_160 = tpu.memref_slice %arg9[%dma_wait3A_158, %dma_wait3A_159] : memref<64x64xf32, #tpu.memory_space<vmem>> -> memref<1x64xf32, #tpu.memory_space<vmem>>
      %dma_wait3A_161 = arith.constant 0 : i32
      %dma_wait3A_162 = arith.constant 0 : i32
      %dma_wait3A_163 = tpu.memref_slice %arg4[%dma_wait3A_161, %dma_wait3A_162] : memref<16384x64xf32, #tpu.memory_space<hbm>> -> memref<1x64xf32, #tpu.memory_space<hbm>>
      tpu.wait_dma2 semaphore(%arg12 : memref<!tpu.dma_semaphore, #tpu.memory_space<semaphore_mem>>) src(%dma_wait3A_163 : memref<1x64xf32, #tpu.memory_space<hbm>>) dst(%dma_wait3A_160 : memref<1x64xf32, #tpu.memory_space<vmem>>)
    }
    return
  }
}

</mosaic_0001>

<sc_bundles>
// kernel: _embed.3.cloned.1.call-start
scs
__scs_entry_jumppad:
0x0: {  	(pc) =	sbr.rel $0x88, $3  }
0x1: {  	(tag) =	ssettag $0x0;
	lr =	simm.s32 $0x1  }
0x2: {  	[smem:$0x3F9F] =	sst lr;
	_ =	strace $0xD0000000  }
0x3: {  	_ = 	snop  }
0x4: {  	_ = 	snop  }
0x5: {  	_ = 	snop  }
0x6: {  	_ = 	snop  }
0x7: {  	_ = 	snop  }
__scs_overlays_trampoline_lowered:
0x8: {  	[smem:$0x3FAE] =	sst s0  }
0x9: {  	[smem:$0x3FAF] =	sst s1  }
0xa: {  	[smem:$0x3FB0] =	sst s2  }
0xb: {  	[smem:$0x3FB1] =	sst s3  }
0xc: {  	[smem:$0x3FB2] =	sst s4  }
0xd: {  	[smem:$0x3FB3] =	sst s5  }
0xe: {  	[smem:$0x3FB4] =	sst s6  }
0xf: {  	[smem:$0x3FB5] =	sst s7  }
0x10: {  	[smem:$0x3FB6] =	sst s8  }
0x11: {  	[smem:$0x3FB7] =	sst s9;
	s0 =	simm.s32 @!p0 $0x0  }
0x12: {  	s1 =	sld [smem:$0x3F9D];
	s0 =	simm.s32 @p0 $0x1  }
0x13: {  	[smem:$0x3FB8] =	sst s0;
	s0 =	simm.s32 @!p1 $0x0  }
0x14: {  	s2 =	sld [smem:$0x3F9C];
	s0 =	simm.s32 @p1 $0x1  }
0x15: {  	[smem:$0x3FB9] =	sst s0;
	s0 =	simm.s32 @!p2 $0x0  }
0x16: {  	s3 =	sld [smem:$0x3FDB];
	s0 =	simm.s32 @p2 $0x1  }
0x17: {  	s4 =	simm.s32 $0x1BF5;
	[smem:$0x3FBB] =	sst s0  }
0x18: {  	s0 =	sld [smem:$0x3F9E];
	_ =	swait.ge [sflag:s4], $0x0  }
0x19: {  	s7 =	sld [smem:$0x3F9F]  }
0x1a: {  	s8 =	sadd.s32 $0xFFFFE003, lr  }
0x1b: {  	s9 =	sadd.s32 $0xFFFFFEF7, lr;
	s5 =	simm.s32 $0xFFFFFFFF;
	p2 =	slt.u32 s8, $0xFFFFF086  }
0x1c: {  	p1 =	slt.u32 s9, $0xF7A;
	s5 =	simm.s32 @!p2 $0x0  }
0x1d: {  	s5 =	simm.s32 @p1 $0x1;
	p0 =	seq.s32 s7, s2  }
0x1e: {  	s7 =	smul.u32 @!p0 $0xF7A, s2;
	p2 =	seq.s32 @!p0 s5, $0x0  }
0x1f: {  	s9 =	smul.u32 $0xF7A, s1;
	s8 =	simm.s32 @!p0 $0x1BF5;
	p2 =	por !p2, p0  }
0x20: {  	[sflag:s8] =	ssyncset.s32 @!p0 $0xFFFFF086;
	s6 =	sadd.s32 @!p0 s3, s7;
	s7 =	simm.s32 @!p0 $0x108  }
0x21: {  	s3 =	sadd.s32 s3, s9;
	s6 =	sadd.s32 @!p0 $0x88, s6;
	s7 =	simm.s32 @p2 $0x1082  }
0x22: {  	[simem:s7], [sflag:s8] =	dma.local @!p0 [hbm:s6], $0xF7A  }
0x23: {  	s9 =	sor.u32 $0xD0000000, s2;
	s6 =	simm.s32 $0x108;
	_ =	swait.ge @!p0 [sflag:s8], $0x0  }
0x24: {  	s3 =	sadd.s32 $0x88, s3;
	s6 =	simm.s32 @!p1 $0x1082;
	[sflag:s4] =	ssyncset.s32 $0xFFFFF086  }
0x25: {  	[simem:s6], [sflag:s4] =	dma.local [hbm:s3], $0xF7A  }
0x26: {  	[smem:$0x3F9F] =	sst s1;
	(tag) =	ssettag s2;
	_ =	strace s9  }
0x27: {  	s1 =	sld [smem:$0x3FAF]  }
0x28: {  	s2 =	sld [smem:$0x3FB0]  }
0x29: {  	s4 =	sld [smem:$0x3FB2]  }
0x2a: {  	p0 =	seq.s32 s5, $0x0;
	s5 =	sld [smem:$0x3FB3]  }
0x2b: {  	s6 =	sld [smem:$0x3FB4]  }
0x2c: {  	s7 =	sld [smem:$0x3FB5]  }
0x2d: {  	s3 =	simm.s32 $0x108;
	s8 =	sld [smem:$0x3FB6]  }
0x2e: {  	s3 =	simm.s32 @!p0 $0x1082;
	s9 =	sld [smem:$0x3FB7]  }
0x2f: {  	lr =	sadd.s32 s0, s3;
	s0 =	sld [smem:$0x3FAE]  }
0x30: {  	s3 =	sld [smem:$0x3FB1]  }
0x31: {  	[smem:$0x3FBA] =	sst s10  }
0x32: {  	s10 =	sld [smem:$0x3FB8];
	_ =	sdelay $0x3  }
0x33: {  	p0 =	seq.s32 s10, $0x1;
	s10 =	sld [smem:$0x3FBA];
	_ =	sdelay $0x3  }
0x34: {  	[smem:$0x3FBA] =	sst s10  }
0x35: {  	s10 =	sld [smem:$0x3FB9];
	_ =	sdelay $0x3  }
0x36: {  	p1 =	seq.s32 s10, $0x1;
	s10 =	sld [smem:$0x3FBA];
	_ =	sdelay $0x3  }
0x37: {  	[smem:$0x3FBA] =	sst s10  }
0x38: {  	s10 =	sld [smem:$0x3FBB]  }
0x39: {  	_ = 	snop;
	(pc) =	sbr.ind lr, $3  }
0x3a: {  	_ = 	snop  }
0x3b: {  	_ = 	snop  }
0x3c: {  	p2 =	seq.s32 s10, $0x1;
	s10 =	sld [smem:$0x3FBA]  }
0x3d: {  	_ =	shalt  }
0x3e: {  	_ =	shalt  }
0x3f: {  	_ =	shalt  }
0x40: {  	_ =	shalt  }
0x41: {  	_ =	shalt  }
0x42: {  	_ =	shalt  }
0x43: {  	_ =	shalt  }
0x44: {  	_ =	shalt  }
0x45: {  	_ =	shalt  }
0x46: {  	_ =	shalt  }
0x47: {  	_ =	shalt  }
0x48: {  	_ =	shalt  }
0x49: {  	_ =	shalt  }
0x4a: {  	_ =	shalt  }
0x4b: {  	_ =	shalt  }
0x4c: {  	_ =	shalt  }
0x4d: {  	_ =	shalt  }
0x4e: {  	_ =	shalt  }
0x4f: {  	_ =	shalt  }
0x50: {  	_ =	shalt  }
0x51: {  	_ =	shalt  }
0x52: {  	_ =	shalt  }
0x53: {  	_ =	shalt  }
0x54: {  	_ =	shalt  }
0x55: {  	_ =	shalt  }
0x56: {  	_ =	shalt  }
0x57: {  	_ =	shalt  }
0x58: {  	_ =	shalt  }
0x59: {  	_ =	shalt  }
0x5a: {  	_ =	shalt  }
0x5b: {  	_ =	shalt  }
0x5c: {  	_ =	shalt  }
0x5d: {  	_ =	shalt  }
0x5e: {  	_ =	shalt  }
0x5f: {  	_ =	shalt  }
0x60: {  	_ =	shalt  }
0x61: {  	_ =	shalt  }
0x62: {  	_ =	shalt  }
0x63: {  	_ =	shalt  }
0x64: {  	_ =	shalt  }
0x65: {  	_ =	shalt  }
0x66: {  	_ =	shalt  }
0x67: {  	_ =	shalt  }
0x68: {  	_ =	shalt  }
0x69: {  	_ =	shalt  }
0x6a: {  	_ =	shalt  }
0x6b: {  	_ =	shalt  }
0x6c: {  	_ =	shalt  }
0x6d: {  	_ =	shalt  }
0x6e: {  	_ =	shalt  }
0x6f: {  	_ =	shalt  }
0x70: {  	_ =	shalt  }
0x71: {  	_ =	shalt  }
0x72: {  	_ =	shalt  }
0x73: {  	_ =	shalt  }
0x74: {  	_ =	shalt  }
0x75: {  	_ =	shalt  }
0x76: {  	_ =	shalt  }
0x77: {  	_ =	shalt  }
0x78: {  	_ =	shalt  }
0x79: {  	_ =	shalt  }
0x7a: {  	_ =	shalt  }
0x7b: {  	_ =	shalt  }
0x7c: {  	_ =	shalt  }
0x7d: {  	_ =	shalt  }
0x7e: {  	_ =	shalt  }
0x7f: {  	_ =	shalt  }
0x80: {  	_ =	shalt  }
0x81: {  	_ =	shalt  }
0x82: {  	_ =	shalt  }
0x83: {  	_ =	shalt  }
0x84: {  	_ =	shalt  }
0x85: {  	_ =	shalt  }
0x86: {  	_ =	shalt  }
0x87: {  	_ =	shalt  }
.Lfunc_end0:
.L_simem_size_0:
called_computation_lowered:
.L_overlay_start_0:
0x88: {  	s2 =	sld [smem:$0x3FD9]  }
0x89: {  	s3 =	sld [smem:$0x3FFE];
	_ =	sdelay $0x1  }
0x8a: {  	s1 =	srdreg.scid  }
0x8b: {  	s0 =	sand.u32 $0x1, s1  }
0x8c: {  	s17 =	sshll.u32 s0, $0xA;
	s2 =	sadd.s32 s3, s2  }
0x8d: {  	s2 =	sadd.s32 s2, s17  }
0x8e: {  	[smem:$0x3FC6] =	sst s2  }
0x8f: {  	_ = 	snop  }
0x90: {  	s2 =	sld [smem:$0x3FC9]  }
0x91: {  	s18 =	sld [smem:$0x3FC8];
	(tm) =	ssettm $0x1  }
0x92: {  	s4 =	sld [smem:$0x3FFB];
	_ =	sdelay $0x3  }
0x93: {  	_ =	strace s4  }
0x94: {  	s4 =	sld [smem:$0x3FFC];
	_ =	sdelay $0x3  }
0x95: {  	_ =	strace s4  }
0x96: {  	s4 =	sld [smem:$0x3FFD];
	_ =	sdelay $0x3  }
0x97: {  	_ =	strace s4  }
0x98: {  	_ =	strace $0x8FFFFFFF  }
0x99: {  	s19 =	sld [smem:$0x3FDB];
	_ =	sdelay $0x1  }
0x9a: {  	s5 =	simm.s32 $_scs_section_size  }
0x9b: {  	s6 =	simm.s32 $_size__tile_overlayer_lowered;
	s7 =	simm.s32 $_tile_overlayer_lowered  }
0x9c: {  	s22 =	simm.s32 $0x1BFF;
	s21 =	sshll.u32 s7, $0x1;
	s4 =	sadd.s32 s5, s19  }
0x9d: {  	s8 =	simm.s32 $0x0;
	s20 =	sshll.u32 s6, $0x1;
	s6 =	sadd.s32 s21, s4  }
0x9e: {  	[timem:s8], [sflag:s22] =	dma.local [hbm:s6], s20  }
0x9f: {  	_ =	swait.ge [sflag:s22], s20  }
0xa0: {  	s5 =	ssub.s32 $0x0, s20;
	[sflag:s22] =	ssyncset.done $0x0  }
0xa1: {  	[sflag:s22] =	ssyncadd.s32 s5;
	_ =	sdelay $0x1  }
0xa2: {  	s23 =	simm.s32 $0x1B8B  }
0xa3: {  	_ =	swait.ge [sflag:s23], $0x1  }
0xa4: {  	[sflag:s23] =	ssyncset.done $0x0  }
0xa5: {  	s25 =	simm.s32 $0x1B8E;
	s24 =	sld [smem:$0x3FFE];
	[sflag:s23] =	ssyncadd.s32 $0xFFFFFFFF  }
0xa6: {  	s26 =	simm.s32 $execute0_lowered;
	[smem:$0x3FD2] =	sst s25  }
0xa7: {  	s6 =	sshll.u32 s26, $0x1;
	_ =	strace $0x80000046;
	[dreg:$0x1] =	wrdreg $0xFFFFFFFF  }
0xa8: {  	s28 =	simm.s32 $_size_execute0_lowered;
	s4 =	sadd.s32 s4, s6;
	[dreg:$0x0] =	wrdreg $0x0  }
0xa9: {  	s6 =	sshll.u32 s28, $0x1;
	[dreg:$0x2] =	wrdreg s4  }
0xaa: {  	[dreg:$0x3] =	wrdreg s6  }
0xab: {  	[dreg:$0x4] =	wrdreg $0xC0  }
0xac: {  	_ =	task [dreg:s8], $0x5FFFF  }
0xad: {  	[dreg:$0x1] =	wrdreg $0xFFFFFFFF  }
0xae: {  	[dreg:$0x0] =	wrdreg $0x60  }
0xaf: {  	[dreg:$0x2] =	wrdreg s2  }
0xb0: {  	[dreg:$0x3] =	wrdreg s18  }
0xb1: {  	[dreg:$0x4] =	wrdreg s24  }
0xb2: {  	[dreg:$0x5] =	wrdreg $0x9  }
0xb3: {  	_ =	task.clear_ibuf [dreg:s8], $0x6FFFF;
	_ =	strace $0x90000046  }
0xb4: {  	s29 =	simm.s32 $0x9;
	_ =	strace $0x80000048  }
0xb5: {  	_ =	swait.ge [sflag:s29], $0x1  }
0xb6: {  	[sflag:s29] =	ssyncadd.s32 $0xFFFFFFFF  }
0xb7: {  	_ =	strace $0x90000048  }
0xb8: {  	_ =	sfence  }
0xb9: {  	s30 =	sld [smem:$0x0];
	_ =	sdelay $0x2  }
0xba: {  	s31 =	sshll.u32 s1, $0xD;
	s1 =	sshrl.u32 s1, $0x2  }
0xbb: {  	s3 =	sand.u32 $0x4000, s31;
	s1 =	sadd.s32 s1, s30  }
0xbc: {  	s0 =	sor.u32 s3, s0;
	s1 =	sshll.u32 s1, $0x11  }
0xbd: {  	s0 =	sor.u32 s1, s0  }
0xbe: {  	s0 =	sadd.s32 $0x8F2B, s0  }
0xbf: {  	[sflag:s0] =	ssyncadd.remote.s32 $0x1  }
0xc0: {  	_ =	sfence.sel $0xFFFF  }
0xc1: {  	[dreg:$0x0] =	wrdreg $0xFFFFFFFF;
	(pc) =	sbr.abs _section_cstart, $3  }
0xc2: {  	[dreg:$0x1] =	wrdreg $0xFFFFFFFF  }
0xc3: {  	_ =	task.clear_ibuf [dreg:s8], $0x2FFFF;
	_ =	strace $0x9FFFFFFF  }
0xc4: {  	(tm) =	ssettm $0x7FFFFFFF  }
0xc5: {  	_ =	shalt  }
tec
execute0_lowered:
.L_overlay_start_1:
0x0: {  	(tag) =	ssettag $0x1  }
0x1: {  	v0 =	vimm.s32 $0xB80  }
0x2: {  	vm14 =	vcmask $0x300;
	vm13 =	vcmask $0x704;
	vm12 =	vcmask $0xB08  }
0x3: {  	vm11 =	vcmask $0xF0C;
	vm10 =	vcmask $0x1310;
	vm9 =	vcmask $0x1714  }
0x4: {  	vm8 =	vcmask $0x1B18;
	vm7 =	vcmask $0x1F1C;
	vm6 =	vcmask $0x2320  }
0x5: {  	vm5 =	vcmask $0x2724;
	vm4 =	vcmask $0x2B28;
	vm3 =	vcmask $0x2F2C  }
0x6: {  	vm2 =	vcmask $0x3330;
	vm1 =	vcmask $0x3734;
	vm0 =	vcmask $0x3B38  }
0x7: {  	v6 =	vimm.s32 $0x1B80;
	v7 =	vimm.s32 $0x2B80;
	v8 =	vimm.s32 $0x3B80  }
0x8: {  	v0 =	vsel vm14, $0x0, v0;
	v6 =	vsel vm14, $0x1000, v6;
	v7 =	vsel vm14, $0x2000, v7  }
0x9: {  	v8 =	vsel vm14, $0x3000, v8;
	v0 =	vsel vm13, $0x80, v0;
	v6 =	vsel vm13, $0x1080, v6  }
0xa: {  	v7 =	vsel vm13, $0x2080, v7;
	v8 =	vsel vm13, $0x3080, v8;
	v0 =	vsel vm12, $0x100, v0  }
0xb: {  	v6 =	vsel vm12, $0x1100, v6;
	v7 =	vsel vm12, $0x2100, v7;
	v8 =	vsel vm12, $0x3100, v8  }
0xc: {  	v0 =	vsel vm11, $0x180, v0;
	v6 =	vsel vm11, $0x1180, v6;
	v7 =	vsel vm11, $0x2180, v7  }
0xd: {  	v8 =	vsel vm11, $0x3180, v8;
	v0 =	vsel vm10, $0x200, v0;
	v6 =	vsel vm10, $0x1200, v6  }
0xe: {  	v7 =	vsel vm10, $0x2200, v7;
	v8 =	vsel vm10, $0x3200, v8;
	v0 =	vsel vm9, $0x280, v0  }
0xf: {  	v6 =	vsel vm9, $0x1280, v6;
	v7 =	vsel vm9, $0x2280, v7;
	v8 =	vsel vm9, $0x3280, v8  }
0x10: {  	v0 =	vsel vm8, $0x300, v0;
	v6 =	vsel vm8, $0x1300, v6;
	v7 =	vsel vm8, $0x2300, v7  }
0x11: {  	s1 =	srdreg.scid;
	s0 =	stileid.u32;
	v8 =	vsel vm8, $0x3300, v8;
	v0 =	vsel vm7, $0x380, v0;
	v6 =	vsel vm7, $0x1380, v6  }
0x12: {  	s5 =	sand.u32 $0x1, s1;
	s30 =	sshll.u32 s0, $0x1;
	v7 =	vsel vm7, $0x2380, v7;
	v8 =	vsel vm7, $0x3380, v8;
	v0 =	vsel vm6, $0x800, v0  }
0x13: {  	s2 =	rddreg [dreg:$0x1];
	s20 =	sor.u32 s5, s30;
	v6 =	vsel vm6, $0x1800, v6;
	v7 =	vsel vm6, $0x2800, v7;
	v8 =	vsel vm6, $0x3800, v8  }
0x14: {  	s6 =	rddreg [dreg:$0x2];
	v1 =	vsel vm5, $0x880, v0;
	v0 =	vmov s20;
	v6 =	vsel vm5, $0x1880, v6  }
0x15: {  	s4 =	simm.s32 $0x0;
	s13 =	simm.s32 $0x4000;
	s14 =	simm.s32 $0x800;
	v7 =	vsel vm5, $0x2880, v7;
	v8 =	vsel vm5, $0x3880, v8;
	v2 =	vsel vm4, $0x900, v1  }
0x16: {  	s15 =	simm.s32 $0x1;
	s16 =	simm.s32 $0x7A1400;
	s17 =	simm.s32 $0x8080;
	v1 =	vlaneseq.u32;
	v6 =	vsel vm4, $0x1900, v6;
	v7 =	vsel vm4, $0x2900, v7  }
0x17: {  	s18 =	simm.s32 $0xC080;
	s19 =	simm.s32 $0x10080;
	s1 =	rddreg [dreg:$0x0];
	v8 =	vsel vm4, $0x3900, v8;
	v3 =	vsel vm3, $0x980, v2;
	v2 =	vimm.s32 $0x0  }
0x18: {  	s21 =	simm.s32 $0x6;
	s22 =	simm.s32 $0x0;
	[smem:$0x7FF] =	sst s4;
	v6 =	vsel vm3, $0x1980, v6;
	v7 =	vsel vm3, $0x2980, v7;
	v8 =	vsel vm3, $0x3980, v8  }
0x19: {  	p0 =	seq.s32 s0, $0x0;
	s7 =	ssub.s32 $0x2, s5;
	_ =	strace $0x80000047;
	v4 =	vsel vm2, $0xA00, v3;
	v3 =	vimm.s32 $0x7FFFFFFF;
	v6 =	vsel vm2, $0x1A00, v6  }
.Ltmp0:
0x1a: {  	s5 =	sadd.s32 $0x400, s6;
	s6 =	simm.s32 $0x7B;
	v5 =	vsel vm1, $0xA80, v4;
	v4 =	vimm.f32 $0.0e+00;
	v9 =	vsel vm1, $0x1A80, v6;
	(pc) =	sbr.rel .LBB2_1-.Ltmp0, $4  }
0x1b: {  	s11 =	sadd.s32 $0xF4200, s1;
	s8 =	sshrl.u32 s7, $0x1;
	s31 =	sshll.u32 s20, $0x8;
	v6 =	vsel vm2, $0x2A00, v7;
	v7 =	vsel vm2, $0x3A00, v8;
	v5 =	vsel vm0, $0xB00, v5  }
0x1c: {  	s6 =	simm.s32 @!p0 $0x7A;
	s12 =	ssub.s32 s7, s8;
	s7 =	sadd.s32 s1, s31;
	v8 =	vsel vm1, $0x2A80, v6;
	v10 =	vsel vm1, $0x3A80, v7;
	v6 =	vmul.u32 $0x80, v1  }
0x1d: {  	p0 =	sne.s32 s20, $0x2;
	s8 =	sshll.u32 s20, $0xB;
	s9 =	sadd.s32 $0x2000, s7;
	v7 =	vsel vm0, $0x1B00, v9;
	v8 =	vsel vm0, $0x2B00, v8;
	v9 =	vsel vm0, $0x3B00, v10  }
0x1e: {  	s10 =	sadd.s32 $0x4000, s7;
	s12 =	smax.u32 s12, $0x1;
	s20 =	simm.s32 $0x18080;
	v10 =	vor.u32 $0x800, v6;
	v11 =	vor.u32 $0x1000, v6;
	v12 =	vor.u32 $0x1800, v6  }
.LBB2_20:
0x1f: {  	[sflag:s21] =	ssyncadd.s32 $0xFFFFFF80  }
.LBB2_21:
0x20: {  	s22 =	sadd.s32 $0x1, s22  }
0x21: {  	p1 =	sne.s32 s22, s12  }
.Ltmp1:
0x22: {  	_ = 	snop;
	(pc) =	sbr.rel @!p1 .LBB2_22-.Ltmp1, $1  }
0x23: {  	_ =	sdelay $0x3  }
.LBB2_1:
0x24: {  	[tilespmem:s4], [sflag:$0x1] =	stream.linear.gather [hbm4b:s2+s4], $0x4000, $0x38;
	[tilespmem:$0x1C080] =	vst v63  }
0x25: {  	_ =	swait.ge [sflag:s15], $0x4000  }
0x26: {  	s23 =	simm.s32 $0xFFFFFFFC;
	[sflag:s15] =	ssyncset.done $0x0  }
0x27: {  	s24 =	simm.s32 $0x20;
	s25 =	simm.s32 $0x0;
	v13 =	vimm.s32 $0x0;
	[sflag:s15] =	ssyncadd.s32 $0xFFFFC000  }
.LBB2_2:
0x28: {  	v14 =	vld [tilespmem:s24+$0xFFFFFFE0];
	_ =	sdelay $0x4  }
0x29: {  	v15 =	vshrl.u32 v14, $0x8  }
0x2a: {  	v15 =	vand.u32 $0x1F, v15  }
0x2b: {  	vm0 =	veq.s32 v15, v0  }
0x2c: {  	v15 =	vsel vm0, $0x1, v2  }
0x2d: {  	(xrf0) =	vadd.scan.msk.s32 $0xffff, v15;
	_ =	sdelay $0x5  }
0x2e: {  	v15, _, _ =	vpop (xrf0)  }
0x2f: {  	v15 =	vadd.s32 v15, v13  }
0x30: {  	v16 =	vshll.u32 v14, $0xE;
	v15 =	vadd.s32 $0xFFFFFFFF, v15  }
0x31: {  	v14 =	vshll.u32 v14, $0x9;
	v16 =	vand.u32 $0x3FC000, v16  }
0x32: {  	v14 =	vand.u32 $0xFFC00000, v14;
	v16 =	vor.u32 s25, v16  }
0x33: {  	v14 =	vor.u32 v14, v16  }
0x34: {  	v14 =	vor.u32 v1, v14  }
0x35: {  	[tilespmem:v15+s13+$0x0] =	vst.idx.msk vm0, v14  }
0x36: {  	v14 =	vld [tilespmem:s24+$0xFFFFFFF0];
	_ =	sdelay $0x4  }
0x37: {  	v15 =	vshrl.u32 v14, $0x8  }
0x38: {  	v15 =	vand.u32 $0x1F, v15  }
0x39: {  	vm1 =	veq.s32 v15, v0  }
0x3a: {  	v15 =	vsel vm1, $0x1, v2  }
0x3b: {  	(xrf0) =	vadd.scan.msk.s32 $0xffff, v15;
	_ =	sdelay $0x1  }
0x3c: {  	v15 =	vmpcnt.ones.xlane vm0;
	_ =	sdelay $0x3  }
0x3d: {  	v13 =	vadd.s32 v13, v15;
	v15, _, _ =	vpop (xrf0)  }
0x3e: {  	v15 =	vadd.s32 v15, v13  }
0x3f: {  	v60 =	vshll.u32 v14, $0xE;
	v15 =	vadd.s32 $0xFFFFFFFF, v15  }
0x40: {  	s26 =	sadd.s32 $0x10, s25;
	v14 =	vshll.u32 v14, $0x9;
	v16 =	vand.u32 $0x3FC000, v60  }
0x41: {  	v14 =	vand.u32 $0xFFC00000, v14;
	v16 =	vor.u32 s26, v16  }
0x42: {  	v14 =	vor.u32 v14, v16  }
0x43: {  	v14 =	vor.u32 v1, v14  }
0x44: {  	[tilespmem:v15+s13+$0x0] =	vst.idx.msk vm1, v14  }
0x45: {  	v14 =	vld [tilespmem:s24+$0x0];
	_ =	sdelay $0x4  }
0x46: {  	v15 =	vshrl.u32 v14, $0x8  }
0x47: {  	v15 =	vand.u32 $0x1F, v15  }
0x48: {  	vm14 =	veq.s32 v15, v0  }
0x49: {  	v15 =	vsel vm14, $0x1, v2  }
0x4a: {  	(xrf0) =	vadd.scan.msk.s32 $0xffff, v15;
	_ =	sdelay $0x1  }
0x4b: {  	v15 =	vmpcnt.ones.xlane vm1;
	_ =	sdelay $0x3  }
0x4c: {  	v13 =	vadd.s32 v13, v15;
	v15, _, _ =	vpop (xrf0)  }
0x4d: {  	v15 =	vadd.s32 v15, v13  }
0x4e: {  	v61 =	vshll.u32 v14, $0xE;
	v15 =	vadd.s32 $0xFFFFFFFF, v15  }
0x4f: {  	s30 =	sadd.s32 $0x20, s25;
	v14 =	vshll.u32 v14, $0x9;
	v16 =	vand.u32 $0x3FC000, v61  }
0x50: {  	v14 =	vand.u32 $0xFFC00000, v14;
	v16 =	vor.u32 s30, v16  }
0x51: {  	v14 =	vor.u32 v14, v16  }
0x52: {  	v14 =	vor.u32 v1, v14  }
0x53: {  	[tilespmem:v15+s13+$0x0] =	vst.idx.msk vm14, v14  }
0x54: {  	v14 =	vld [tilespmem:s24+$0x10];
	_ =	sdelay $0x4  }
0x55: {  	v15 =	vshrl.u32 v14, $0x8  }
0x56: {  	v15 =	vand.u32 $0x1F, v15  }
0x57: {  	vm15 =	veq.s32 v15, v0  }
0x58: {  	v15 =	vsel vm15, $0x1, v2  }
0x59: {  	(xrf0) =	vadd.scan.msk.s32 $0xffff, v15;
	_ =	sdelay $0x1  }
0x5a: {  	v15 =	vmpcnt.ones.xlane vm14;
	_ =	sdelay $0x3  }
0x5b: {  	v13 =	vadd.s32 v13, v15;
	v15, _, _ =	vpop (xrf0)  }
0x5c: {  	s23 =	sadd.s32 $0x4, s23;
	v15 =	vadd.s32 v15, v13  }
0x5d: {  	p1 =	slt.u32 s23, $0x3FC;
	v62 =	vshll.u32 v14, $0xE;
	v15 =	vadd.s32 $0xFFFFFFFF, v15  }
.Ltmp2:
0x5e: {  	s31 =	sadd.s32 $0x30, s25;
	v14 =	vshll.u32 v14, $0x9;
	v16 =	vand.u32 $0x3FC000, v62;
	(pc) =	sbr.rel @p1 .LBB2_2-.Ltmp2, $4  }
0x5f: {  	v14 =	vand.u32 $0xFFC00000, v14;
	v16 =	vor.u32 s31, v16  }
0x60: {  	v14 =	vor.u32 v14, v16;
	v63 =	vmpcnt.ones.xlane vm15  }
0x61: {  	v14 =	vor.u32 v1, v14  }
0x62: {  	s25 =	sadd.s32 $0x40, s25;
	s24 =	sadd.s32 $0x40, s24;
	v13 =	vadd.s32 v13, v63;
	[tilespmem:v15+s13+$0x0] =	vst.idx.msk vm15, v14  }
0x63: {  	v13 =	vxor.u32 $0x80000000, v13  }
0x64: {  	(xrf0) =	vmax.scan.msk.u32 $0xffff, v13;
	_ =	sdelay $0x5  }
0x65: {  	v13, _, _ =	vpop (xrf0)  }
0x66: {  	(v2sf) =	vpush v13, $0xF;
	_ =	sdelay $0xe  }
0x67: {  	s23 =	spop (v2sf)  }
0x68: {  	s24 =	sxor.u32 $0x80000000, s23  }
0x69: {  	v13 =	vadd.s32 s24, v1  }
0x6a: {  	s23 =	sadd.s32 $0x8000000F, s23  }
0x6b: {  	s30 =	sand.u32 $0xF, s23  }
0x6c: {  	s25 =	sshra.s32 s23, $0x1F;
	p1 =	slt.s32 s23, $0x1;
	p2 =	sne.s32 s30, $0x0  }
0x6d: {  	s31 =	sshrl.u32 s25, $0x1C;
	p1 =	por !p1, !p2  }
0x6e: {  	s24 =	simm.s32 $0x1;
	s23 =	sadd.s32 s31, s23;
	p1 =	por !p1, !p1;
	[tilespmem:v13+s13+$0x0] =	vst.idx.msk $0xffff, v3  }
0x6f: {  	[tilespmem:s17], [sflag:$0x2] =	stream.strided.gather [hbm4b:s7+s14], $0x4000, s16, s14, $0x38;
	[tilespmem:$0x1C080] =	vst v63  }
.Ltmp3:
0x70: {  	s23 =	sshra.s32 s23, $0x4;
	s24 =	simm.s32 @!p1 $0x0;
	(pc) =	sbr.rel .LBB2_4-.Ltmp3, $4  }
0x71: {  	s24 =	ssub.s32 s23, s24  }
0x72: {  	[tilespmem:s18], [sflag:$0x3] =	stream.strided.gather [hbm4b:s9+s14], $0x4000, s16, s14, $0x38;
	[tilespmem:$0x1C080] =	vst v63  }
0x73: {  	s25 =	simm.s32 $0x0;
	s23 =	simm.s32 $0x0;
	p1 =	slt.s32 s24, $0x1  }
0x74: {  	[tilespmem:s19], [sflag:$0x4] =	stream.strided.gather [hbm4b:s10+s14], $0x4000, s16, s14, $0x38;
	[tilespmem:$0x1C080] =	vst v63  }
.LBB2_10:
0x75: {  	s25 =	sadd.s32 $0x1, s25  }
0x76: {  	p2 =	sne.s32 s25, s6  }
.Ltmp4:
0x77: {  	_ = 	snop;
	(pc) =	sbr.rel @!p2 .LBB2_11-.Ltmp4, $1  }
0x78: {  	_ =	sdelay $0x3  }
.LBB2_4:
0x79: {  	s26 =	sadd.s32 $0x3, s25  }
0x7a: {  	p2 =	sge.u32 s26, s6  }
0x7b: {  	s28 =	sand.u32 @!p2 $0x3, s26;
	s26 =	sshll.u32 @!p2 s26, $0x10  }
0x7c: {  	s30 =	simm.s32 @!p2 $0x800;
	s26 =	sor.u32 @!p2 s8, s26  }
0x7d: {  	s31 =	simm.s32 @!p2 $0x7A1400;
	s29 =	sshll.u32 @!p2 s28, $0xE;
	s26 =	sshrl.u32 @!p2 s26, $0x3  }
0x7e: {  	s28 =	sadd.s32 @!p2 $0x2, s28;
	s29 =	sadd.s32 @!p2 $0x8080, s29;
	s26 =	sadd.s32 @!p2 s1, s26  }
0x7f: {  	[tilespmem:s29], [sflag:s28] =	stream.strided.gather @!p2 [hbm4b:s26+s30], $0x4000, s31, s30, $0x38;
	[tilespmem:$0x1C080] =	vst v63  }
.Ltmp5:
0x80: {  	s26 =	sand.u32 $0x3, s25;
	(pc) =	sbr.rel @p1 .LBB2_10-.Ltmp5, $4  }
0x81: {  	s31 =	sadd.s32 $0x2, s26  }
0x82: {  	_ =	swait.ge [sflag:s31], $0x4000  }
0x83: {  	[sflag:s31] =	ssyncset.done $0x0  }
0x84: {  	[sflag:s31] =	ssyncadd.s32 $0xFFFFC000  }
.Ltmp6:
0x85: {  	(pc) =	sbr.rel .LBB2_6-.Ltmp6, $3  }
0x86: {  	_ =	sdelay $0x1  }
0x87: {  	s26 =	sshll.u32 s26, $0xE  }
0x88: {  	v13 =	vmov s25;
	s28 =	simm.s32 $0x0;
	s26 =	sadd.s32 $0x8080, s26  }
.LBB2_9:
0x89: {  	s28 =	sadd.s32 $0x1, s28  }
0x8a: {  	p2 =	sne.s32 s28, s24  }
.Ltmp7:
0x8b: {  	_ = 	snop;
	(pc) =	sbr.rel @!p2 .LBB2_10-.Ltmp7, $1  }
0x8c: {  	_ =	sdelay $0x3  }
.LBB2_6:
0x8d: {  	s29 =	sshll.u32 s28, $0x6  }
0x8e: {  	s29 =	sshra.s32 s29, $0x2  }
0x8f: {  	v14 =	vld [tilespmem:s29+$0x4000];
	_ =	sdelay $0x4  }
0x90: {  	v15 =	vshra.s32 v14, $0x16  }
0x91: {  	vm0 =	veq.s32 v15, v13  }
0x92: {  	v15 =	vsel vm0, $0x3F800000, v4  }
0x93: {  	(xrf0) =	vmax.scan.msk.f32 $0xffff, v15;
	_ =	sdelay $0x5  }
0x94: {  	v15, _, _ =	vpop (xrf0)  }
0x95: {  	(v2sf) =	vpush v15, $0xF;
	_ =	sdelay $0xe  }
0x96: {  	s31 =	spop (v2sf)  }
0x97: {  	p2 =	sgt.f32 s31, $0.0e+00  }
.Ltmp8:
0x98: {  	_ = 	snop;
	(pc) =	sbr.rel @!p2 .LBB2_9-.Ltmp8, $1  }
0x99: {  	_ =	sdelay $0x3  }
0x9a: {  	s29 =	sshll.u32 s23, $0x7  }
.LBB2_8:
0x9b: {  	v15 =	vmctz.xlane vm0;
	_ =	sdelay $0x1  }
0x9c: {  	vm1 =	veq.s32 v15, v1  }
0x9d: {  	v16 =	vnsel vm1, $0x0, v14  }
0x9e: {  	(xrf0) =	vadd.scan.msk.s32 $0xffff, v16;
	_ =	sdelay $0x5  }
0x9f: {  	v16, _, _ =	vpop (xrf0)  }
0xa0: {  	(v2sf) =	vpush v16, $0xF;
	_ =	sdelay $0xe  }
0xa1: {  	s30 =	spop (v2sf)  }
0xa2: {  	s31 =	sshrl.u32 s30, $0xE  }
0xa3: {  	s31 =	sand.u32 $0xFF, s31  }
0xa4: {  	v62 =	vmov s31  }
0xa5: {  	v17 =	vshll.u32 v62, $0x3  }
0xa6: {  	v16 =	vand.u32 $0x7F, v62;
	v17 =	vand.u32 $0x400, v17  }
0xa7: {  	v16 =	vor.u32 v16, v17  }
0xa8: {  	p2 =	slt.s32 s23, $0x40;
	v17 =	vor.u32 v5, v16  }
0xa9: {  	s31 =	simm.s32 @!p2 $0x6  }
0xaa: {  	_ =	swait.ge @!p2 [sflag:s31], $0x80  }
0xab: {  	vm1 =	vne.s32 v15, v1;
	[sflag:s31] =	ssyncset.done @!p2 $0x0  }
0xac: {  	vm0 =	vmand vm0, vm1;
	[sflag:s31] =	ssyncadd.s32 @!p2 $0xFFFFFF80  }
0xad: {  	v18 =	vsel vm0, $0x3F800000, v4;
	v17 =	vld.idx.msk [tilespmem:v17+s26+$0x0], $0xffff  }
0xae: {  	(xrf0) =	vmax.scan.msk.f32 $0xffff, v18;
	v15 =	vor.u32 v7, v16;
	_ =	sdelay $0x2  }
0xaf: {  	s31 =	sand.u32 $0x1F80, s29  }
0xb0: {  	[tilespmem:s31+$0x1A080] =	vst v17  }
0xb1: {  	v15 =	vld.idx.msk [tilespmem:v15+s26+$0x0], $0xffff  }
0xb2: {  	v63 =	vor.u32 v8, v16;
	v18, _, _ =	vpop (xrf0)  }
0xb3: {  	(v2sf) =	vpush v18, $0xF;
	_ =	sdelay $0x2  }
0xb4: {  	[tilespmem:s31+$0x1A090] =	vst v15  }
0xb5: {  	v15 =	vld.idx.msk [tilespmem:v63+s26+$0x0], $0xffff  }
0xb6: {  	v16 =	vor.u32 v9, v16;
	_ =	sdelay $0x3  }
0xb7: {  	[tilespmem:s31+$0x1A0A0] =	vst v15  }
0xb8: {  	v15 =	vld.idx.msk [tilespmem:v16+s26+$0x0], $0xffff;
	_ =	sdelay $0x4  }
0xb9: {  	s3 =	sadd.s32 $0x1A080, s31;
	[tilespmem:s31+$0x1A0B0] =	vst v15;
	s31 =	spop (v2sf)  }
0xba: {  	p2 =	sgt.f32 s31, $0.0e+00  }
.Ltmp9:
0xbb: {  	_ = 	snop;
	(pc) =	sbr.rel @p2 .LBB2_8-.Ltmp9, $4  }
0xbc: {  	s30 =	sshll.u32 s30, $0x4  }
0xbd: {  	s30 =	sand.u32 $0x3FFF0, s30  }
0xbe: {  	s23 =	sadd.s32 $0x1, s23;
	s30 =	sadd.s32 s5, s30;
	s29 =	sadd.s32 $0x80, s29  }
0xbf: {  	[hbm4b:s30+s4] =	stream.linear.scatter [tilespmem:s3], [sflag:$0x6], $0x80, $0x38;
	[tilespmem:$0x1C080] =	vst v63  }
.Ltmp10:
0xc0: {  	_ = 	snop;
	(pc) =	sbr.rel .LBB2_9-.Ltmp10, $1  }
0xc1: {  	_ =	sdelay $0x3  }
.LBB2_11:
0xc2: {  	s3 =	simm.s32 @!p0 $0x400  }
0xc3: {  	s25 =	simm.s32 @!p0 $0x7A1400;
	s26 =	simm.s32 @!p0 $0x18080;
	p1 =	slt.s32 @!p0 s24, $0x1  }
0xc4: {  	[tilespmem:s26], [sflag:$0x7] =	stream.strided.gather @!p0 [hbm4b:s11+s3], $0x2000, s25, s3, $0x38;
	[tilespmem:$0x1C080] =	vst v63  }
0xc5: {  	p1 =	por p0, p1  }
.Ltmp11:
0xc6: {  	_ = 	snop;
	(pc) =	sbr.rel @!p1 .LBB2_13-.Ltmp11, $4  }
0xc7: {  	s3 =	simm.s32 @!p0 $0x7  }
0xc8: {  	_ =	swait.ge @!p0 [sflag:s3], $0x2000  }
0xc9: {  	[sflag:s3] =	ssyncset.done @!p0 $0x0  }
0xca: {  	s25 =	simm.s32 @!p0 $0x0;
	[sflag:s3] =	ssyncadd.s32 @!p0 $0xFFFFE000  }
0xcb: {  	s23 =	smov.u32 @p0 s23  }
.LBB2_17:
0xcc: {  	p1 =	slt.s32 s23, $0x1  }
.Ltmp12:
0xcd: {  	_ = 	snop;
	(pc) =	sbr.rel @p1 .LBB2_21-.Ltmp12, $1  }
0xce: {  	_ =	sdelay $0x3  }
0xcf: {  	p1 =	slt.s32 s23, $0x40  }
0xd0: {  	s23 =	simm.s32 @!p1 $0x40  }
0xd1: {  	p1 =	sne.s32 s23, $0x1  }
.Ltmp13:
0xd2: {  	_ = 	snop;
	(pc) =	sbr.rel @!p1 .LBB2_20-.Ltmp13, $3  }
0xd3: {  	_ =	sdelay $0x1  }
0xd4: {  	_ =	swait.ge [sflag:s21], $0x80  }
0xd5: {  	[sflag:s21] =	ssyncset.done $0x0;
	s23 =	sadd.s32 $0xFFFFFFFF, s23  }
.LBB2_19:
0xd6: {  	p1 =	sne.s32 s23, $0x1;
	s23 =	sadd.s32 $0xFFFFFFFF, s23;
	[sflag:s21] =	ssyncadd.s32 $0xFFFFFF80  }
.Ltmp14:
0xd7: {  	(pc) =	sbr.rel @p1 .LBB2_19-.Ltmp14, $3  }
0xd8: {  	_ =	sdelay $0x1  }
0xd9: {  	_ =	swait.ge [sflag:s21], $0x80  }
0xda: {  	[sflag:s21] =	ssyncset.done $0x0  }
.Ltmp15:
0xdb: {  	_ = 	snop;
	(pc) =	sbr.rel .LBB2_20-.Ltmp15, $1  }
0xdc: {  	_ =	sdelay $0x3  }
.LBB2_16:
0xdd: {  	s25 =	sadd.s32 $0x1, s25  }
0xde: {  	p1 =	sne.s32 s25, s24  }
.Ltmp16:
0xdf: {  	_ = 	snop;
	(pc) =	sbr.rel @!p1 .LBB2_17-.Ltmp16, $1  }
0xe0: {  	_ =	sdelay $0x3  }
.LBB2_13:
0xe1: {  	s3 =	sshll.u32 s25, $0x6  }
0xe2: {  	s3 =	sshra.s32 s3, $0x2  }
0xe3: {  	v13 =	vld [tilespmem:s3+$0x4000];
	_ =	sdelay $0x4  }
0xe4: {  	v14 =	vand.u32 $0xFFC00000, v13  }
0xe5: {  	vm0 =	veq.s32 v14, $0x1E800000  }
0xe6: {  	v14 =	vsel vm0, $0x3F800000, v4  }
0xe7: {  	(xrf0) =	vmax.scan.msk.f32 $0xffff, v14;
	_ =	sdelay $0x5  }
0xe8: {  	v14, _, _ =	vpop (xrf0)  }
0xe9: {  	(v2sf) =	vpush v14, $0xF;
	_ =	sdelay $0xe  }
0xea: {  	s31 =	spop (v2sf)  }
0xeb: {  	p1 =	sgt.f32 s31, $0.0e+00  }
.Ltmp17:
0xec: {  	_ = 	snop;
	(pc) =	sbr.rel @!p1 .LBB2_16-.Ltmp17, $1  }
0xed: {  	_ =	sdelay $0x3  }
0xee: {  	s26 =	sshll.u32 s23, $0x7  }
.LBB2_15:
0xef: {  	v14 =	vmctz.xlane vm0;
	_ =	sdelay $0x1  }
0xf0: {  	vm1 =	veq.s32 v14, v1  }
0xf1: {  	v15 =	vnsel vm1, $0x0, v13  }
0xf2: {  	(xrf0) =	vadd.scan.msk.s32 $0xffff, v15;
	_ =	sdelay $0x5  }
0xf3: {  	v15, _, _ =	vpop (xrf0)  }
0xf4: {  	(v2sf) =	vpush v15, $0xF;
	_ =	sdelay $0xe  }
0xf5: {  	s3 =	spop (v2sf)  }
0xf6: {  	s28 =	sshrl.u32 s3, $0xE  }
0xf7: {  	p1 =	slt.s32 s23, $0x40;
	vm1 =	vne.s32 v14, v1;
	v15 =	vmov s28  }
0xf8: {  	vm0 =	vmand vm0, vm1;
	s28 =	simm.s32 @!p1 $0x6;
	v15 =	vand.u32 $0xFF, v15  }
0xf9: {  	v17 =	vsel vm0, $0x3F800000, v4;
	_ =	swait.ge @!p1 [sflag:s28], $0x80;
	v16 =	vadd.s32 v6, v15  }
0xfa: {  	(xrf0) =	vmax.scan.msk.f32 $0xffff, v17;
	_ =	sdelay $0x1  }
0xfb: {  	[sflag:s28] =	ssyncset.done @!p1 $0x0  }
0xfc: {  	[sflag:s28] =	ssyncadd.s32 @!p1 $0xFFFFFF80  }
0xfd: {  	v16 =	vld.idx.msk [tilespmem:v16+s20+$0x0], $0xffff  }
0xfe: {  	v14 =	vadd.s32 v10, v15  }
0xff: {  	v17, _, _ =	vpop (xrf0)  }
0x100: {  	(v2sf) =	vpush v17, $0xF  }
0x101: {  	s30 =	sand.u32 $0x1F80, s26  }
0x102: {  	[tilespmem:s30+$0x1A080] =	vst v16  }
0x103: {  	v14 =	vld.idx.msk [tilespmem:v14+s20+$0x0], $0xffff  }
0x104: {  	v63 =	vadd.s32 v11, v15;
	_ =	sdelay $0x3  }
0x105: {  	[tilespmem:s30+$0x1A090] =	vst v14  }
0x106: {  	v14 =	vld.idx.msk [tilespmem:v63+s20+$0x0], $0xffff  }
0x107: {  	v15 =	vadd.s32 v12, v15;
	_ =	sdelay $0x3  }
0x108: {  	[tilespmem:s30+$0x1A0A0] =	vst v14  }
0x109: {  	s31 =	spop (v2sf);
	v14 =	vld.idx.msk [tilespmem:v15+s20+$0x0], $0xffff  }
0x10a: {  	p1 =	sgt.f32 s31, $0.0e+00  }
.Ltmp18:
0x10b: {  	_ = 	snop;
	(pc) =	sbr.rel @p1 .LBB2_15-.Ltmp18, $4  }
0x10c: {  	s3 =	sshll.u32 s3, $0x4  }
0x10d: {  	s23 =	sadd.s32 $0x1, s23;
	s3 =	sand.u32 $0x3FFF0, s3  }
0x10e: {  	s26 =	sadd.s32 $0x80, s26;
	s29 =	sadd.s32 $0x1A080, s30;
	s3 =	sadd.s32 s5, s3;
	[tilespmem:s30+$0x1A0B0] =	vst v14  }
0x10f: {  	[hbm4b:s3+s4] =	stream.linear.scatter [tilespmem:s29], [sflag:$0x6], $0x80, $0x38;
	[tilespmem:$0x1C080] =	vst v63  }
.Ltmp19:
0x110: {  	_ = 	snop;
	(pc) =	sbr.rel .LBB2_16-.Ltmp19, $1  }
0x111: {  	_ =	sdelay $0x3  }
.LBB2_22:
0x112: {  	_ =	sfence.sel $0x180000  }
0x113: {  	[bflag:$0x0] =	sbarrier.arrive $0xFFFF  }
0x114: {  	_ =	strace $0x90000047  }
0x115: {  	[bflag:$0x2] =	sbarrier.arrive $0xFFFF  }
0x116: {  	p0 =	sne.s32 s0, $0x0;
	s0 =	rddreg [dreg:$0x3]  }
0x117: {  	s0 =	sadd.s32 @!p0 $0x100000, s0  }
0x118: {  	[sflag:s0] =	ssyncadd.tile.s32 @!p0 $0x1;
	_ =	shalt  }
.Lfunc_end2:
_tile_overlayer_lowered:
.L_overlay_start_2:
0x119: {  	(tag) =	ssettag $0x2  }
0x11a: {  	s0 =	rddreg [dreg:$0x0];
	s2 =	stileid.u32  }
0x11b: {  	s1 =	rddreg [dreg:$0x1];
	p0 =	sne.s32 s2, $0x0  }
0x11c: {  	s3 =	rddreg [dreg:$0x2];
	[bflag:$0x3] =	sbarrier.arrive $0xFFFF;
	s2 =	simm.s32 @!p0 $0x1C07  }
0x11d: {  	[timem:s3], [sflag:s2] =	dma.local @!p0 [hbm:s0], s1  }
0x11e: {  	s0 =	simm.s32 @!p0 $0x7  }
0x11f: {  	_ =	swait.ge @!p0 [sflag:s0], s1  }
0x120: {  	s1 =	ssub.s32 @!p0 $0x0, s1;
	[sflag:s0] =	ssyncset.done @!p0 $0x0  }
0x121: {  	[sflag:s0] =	ssyncadd.s32 @!p0 s1  }
0x122: {  	[bflag:$0x3] =	sbarrier.arrive $0xFFFF  }
0x123: {  	_ =	shalt  }

</sc_bundles>
